<compile_context>
chip_gen: v7x
topology: tpu7x:2x2x1
jax: 0.10.2.dev20260603
libtpu: 0.0.44.dev20260713+nightly
codegen_flags: <defaults>
</compile_context>

<pallas_src>
import functools

import jax
import jax.numpy as jnp
from jax import lax
from jax.experimental import pallas as pl
from jax.experimental.pallas import tpu as pltpu
from jax.experimental.pallas import tpu_sc as plsc

_NPF = 256
_NPX = 26
_NPY = 230


def _tile_kernel(h, w, apad_ref, pos_ref):
    hw = h * w
    r = jax.lax.broadcasted_iota(jnp.int32, (w + h, hw), 0)
    k = jax.lax.broadcasted_iota(jnp.int32, (w + h, hw), 1)
    ge = jnp.right_shift(r - w, 31) + 1
    v = (k % w) * (1 - ge) + (k // w) * ge
    t = r - w * ge
    b2 = (1 - jnp.minimum(jnp.abs(v - t), 1)).astype(jnp.float32)
    pos_ref[...] = jax.lax.dot_general(
        apad_ref[...], b2, (((0,), (0,)), ((), ())),
        preferred_element_type=jnp.float32,
        precision=jax.lax.Precision.HIGHEST,
    )


def _replicate_body(b, hw, n_workers, pos_hbm, out_hbm, slab, sem):
    ch_per_w = _NPF // n_workers
    wid = lax.axis_index("s") * 2 + lax.axis_index("c")
    base = wid * ch_per_w
    pltpu.sync_copy(pos_hbm.at[pl.ds(base, ch_per_w)], slab)
    copies = [
        pltpu.make_async_copy(slab, out_hbm.at[i, pl.ds(base, ch_per_w)], sem)
        for i in range(b)
    ]
    for c in copies:
        c.start()
    for c in copies:
        c.wait()


def kernel(x, row_embed, col_embed):
    b = x.shape[0]
    h, w = x.shape[-2], x.shape[-1]
    hw = h * w
    ce = col_embed[:w]
    re = row_embed[:h]
    top = jnp.pad(ce, ((0, 0), (0, _NPY)))
    bot = jnp.pad(re, ((0, 0), (_NPX, 0)))
    apad = jnp.concatenate([top, bot], axis=0)

    pos = pl.pallas_call(
        functools.partial(_tile_kernel, h, w),
        out_shape=jax.ShapeDtypeStruct((_NPF, hw), jnp.float32),
    )(apad)

    n_workers = 32
    mesh = plsc.VectorSubcoreMesh(core_axis_name="c", subcore_axis_name="s")
    out = pl.kernel(
        functools.partial(_replicate_body, b, hw, n_workers),
        out_type=jax.ShapeDtypeStruct((b, _NPF, hw), jnp.float32),
        mesh=mesh,
        scratch_types=[
            pltpu.VMEM((_NPF // n_workers, hw), jnp.float32),
            pltpu.SemaphoreType.DMA,
        ],
    )(pos)
    return out.reshape(b, _NPF, h, w)

# --- scband reference (transcript-rebuilt; emitter-appended) ---
"""Pipeline reference for scband-depth-prioritized-position-embedding-learned-59442347377525 (READ-ONLY COPY).

The authoritative reference and input builder live on the scoring server;
editing this copy changes nothing except your own understanding.
"""

import jax, jax.numpy as jnp
import numpy as np

NUM_POS_FEATS = 256
RATIO = 0.9
_npy = int(NUM_POS_FEATS * RATIO)
NUM_POS_FEATS_Y = _npy if _npy % 2 == 0 else _npy + 1  # 230
NUM_POS_FEATS_X = NUM_POS_FEATS - NUM_POS_FEATS_Y      # 26


def setup_inputs(seed: int = 0) -> dict:
    key = jax.random.key(seed)
    kx, kr, kc = jax.random.split(key, 3)
    x = jax.random.normal(kx, (16, 768, 64, 64), dtype=jnp.float32)
    row_embed = jax.random.uniform(kr, (100, NUM_POS_FEATS_Y), dtype=jnp.float32)
    col_embed = jax.random.uniform(kc, (100, NUM_POS_FEATS_X), dtype=jnp.float32)
    return {"x": x, "row_embed": row_embed, "col_embed": col_embed}


def reference(x, row_embed, col_embed):
    b = x.shape[0]
    h, w = x.shape[-2], x.shape[-1]
    i = jnp.arange(w)
    j = jnp.arange(h)
    x_emb = jnp.take(col_embed, i, axis=0)  # [w, num_pos_feats_x]
    y_emb = jnp.take(row_embed, j, axis=0)  # [h, num_pos_feats_y]
    x_rep = jnp.broadcast_to(x_emb[None, :, :], (h, w, x_emb.shape[-1]))
    y_rep = jnp.broadcast_to(y_emb[:, None, :], (h, w, y_emb.shape[-1]))
    pos = jnp.concatenate([x_rep, y_rep], axis=-1)          # [h, w, num_pos_feats]
    pos = jnp.transpose(pos, (2, 0, 1))                      # [num_pos_feats, h, w]
    pos = jnp.broadcast_to(pos[None], (b,) + pos.shape)      # [b, num_pos_feats, h, w]
    return pos

if __name__ == "__main__":
    import jax
    _d = setup_inputs()
    print(jax.jit(kernel)(*tuple(_d.values())))

</pallas_src>

<mosaic_0001>
#map = affine_map<(d0, d1) -> (0, 0)>
#map1 = affine_map<(d0, d1) -> (0, 0, 0)>
module attributes {stable_mosaic.version = 14 : i64} {
  func.func @_replicate_body(%arg0: i32, %arg1: i32, %arg2: memref<256x4096xf32, #tpu.memory_space<hbm>>, %arg3: memref<16x256x4096xf32, #tpu.memory_space<hbm>>, %arg4: memref<8x4096xf32, #tpu.memory_space<vmem>>, %arg5: memref<!tpu.dma_semaphore, #tpu.memory_space<semaphore_mem>>) attributes {dimension_semantics = [#tpu.dimension_semantics<core_parallel>, #tpu.dimension_semantics<subcore_parallel>], iteration_bounds = array<i64: 2, 16>, scalar_prefetch = 0 : i64, scratch_operands = 2 : i64, tpu.core_type = #tpu.core_type<sc_vector_subcore>, window_params = [{transform_indices = #map}, {transform_indices = #map1}]} {
    %mul3A = arith.constant 2 : i32
    %mul3A_0 = arith.muli %arg1, %mul3A : i32
    %add3A = arith.addi %mul3A_0, %arg0 : i32
    %mul3A_1 = arith.constant 8 : i32
    %mul3A_2 = arith.muli %add3A, %mul3A_1 : i32
    "tpu.region"() ({
      %run_scoped3A = tpu.sem_alloc : memref<!tpu.dma_semaphore, #tpu.memory_space<semaphore_mem>>
      %dma_start3A_225 = arith.constant 0 : i32
      %dma_start3A_226 = tpu.memref_slice %arg2[%mul3A_2, %dma_start3A_225] : memref<256x4096xf32, #tpu.memory_space<hbm>> -> memref<8x4096xf32, #tpu.memory_space<hbm>>
      %dma_start3A_227 = arith.constant 0 : i32
      %dma_start3A_228 = tpu.memref_slice %arg2[%mul3A_2, %dma_start3A_227] : memref<256x4096xf32, #tpu.memory_space<hbm>> -> memref<8x4096xf32, #tpu.memory_space<hbm>>
      tpu.enqueue_dma source(%dma_start3A_228 : memref<8x4096xf32, #tpu.memory_space<hbm>>) target(%arg4 : memref<8x4096xf32, #tpu.memory_space<vmem>>) target_semaphore(%run_scoped3A : memref<!tpu.dma_semaphore, #tpu.memory_space<semaphore_mem>>)
      %dma_wait3A_229 = arith.constant 0 : i32
      %dma_wait3A_230 = tpu.memref_slice %arg2[%mul3A_2, %dma_wait3A_229] : memref<256x4096xf32, #tpu.memory_space<hbm>> -> memref<8x4096xf32, #tpu.memory_space<hbm>>
      %dma_wait3A_231 = arith.constant 0 : i32
      %dma_wait3A_232 = tpu.memref_slice %arg2[%mul3A_2, %dma_wait3A_231] : memref<256x4096xf32, #tpu.memory_space<hbm>> -> memref<8x4096xf32, #tpu.memory_space<hbm>>
      tpu.wait_dma2 semaphore(%run_scoped3A : memref<!tpu.dma_semaphore, #tpu.memory_space<semaphore_mem>>) src(%dma_wait3A_232 : memref<8x4096xf32, #tpu.memory_space<hbm>>) dst(%arg4 : memref<8x4096xf32, #tpu.memory_space<vmem>>)
      tpu.yield
    }) : () -> ()
    %dma_start3A = arith.constant 0 : i32
    %dma_start3A_3 = arith.constant 0 : i32
    %dma_start3A_4 = tpu.memref_slice %arg3[%dma_start3A, %mul3A_2, %dma_start3A_3] : memref<16x256x4096xf32, #tpu.memory_space<hbm>> -> memref<1x8x4096xf32, #tpu.memory_space<hbm>>
    %dma_start3A_5 = tpu.memref_squeeze %dma_start3A_4 : memref<1x8x4096xf32, #tpu.memory_space<hbm>> -> memref<8x4096xf32, #tpu.memory_space<hbm>>
    %dma_start3A_6 = arith.constant 0 : i32
    %dma_start3A_7 = tpu.memref_slice %arg3[%dma_start3A, %mul3A_2, %dma_start3A_6] : memref<16x256x4096xf32, #tpu.memory_space<hbm>> -> memref<1x8x4096xf32, #tpu.memory_space<hbm>>
    %dma_start3A_8 = tpu.memref_squeeze %dma_start3A_7 : memref<1x8x4096xf32, #tpu.memory_space<hbm>> -> memref<8x4096xf32, #tpu.memory_space<hbm>>
    tpu.enqueue_dma source(%arg4 : memref<8x4096xf32, #tpu.memory_space<vmem>>) target(%dma_start3A_8 : memref<8x4096xf32, #tpu.memory_space<hbm>>) target_semaphore(%arg5 : memref<!tpu.dma_semaphore, #tpu.memory_space<semaphore_mem>>)
    %dma_start3A_9 = arith.constant 1 : i32
    %dma_start3A_10 = arith.constant 0 : i32
    %dma_start3A_11 = tpu.memref_slice %arg3[%dma_start3A_9, %mul3A_2, %dma_start3A_10] : memref<16x256x4096xf32, #tpu.memory_space<hbm>> -> memref<1x8x4096xf32, #tpu.memory_space<hbm>>
    %dma_start3A_12 = tpu.memref_squeeze %dma_start3A_11 : memref<1x8x4096xf32, #tpu.memory_space<hbm>> -> memref<8x4096xf32, #tpu.memory_space<hbm>>
    %dma_start3A_13 = arith.constant 0 : i32
    %dma_start3A_14 = tpu.memref_slice %arg3[%dma_start3A_9, %mul3A_2, %dma_start3A_13] : memref<16x256x4096xf32, #tpu.memory_space<hbm>> -> memref<1x8x4096xf32, #tpu.memory_space<hbm>>
    %dma_start3A_15 = tpu.memref_squeeze %dma_start3A_14 : memref<1x8x4096xf32, #tpu.memory_space<hbm>> -> memref<8x4096xf32, #tpu.memory_space<hbm>>
    tpu.enqueue_dma source(%arg4 : memref<8x4096xf32, #tpu.memory_space<vmem>>) target(%dma_start3A_15 : memref<8x4096xf32, #tpu.memory_space<hbm>>) target_semaphore(%arg5 : memref<!tpu.dma_semaphore, #tpu.memory_space<semaphore_mem>>)
    %dma_start3A_16 = arith.constant 2 : i32
    %dma_start3A_17 = arith.constant 0 : i32
    %dma_start3A_18 = tpu.memref_slice %arg3[%dma_start3A_16, %mul3A_2, %dma_start3A_17] : memref<16x256x4096xf32, #tpu.memory_space<hbm>> -> memref<1x8x4096xf32, #tpu.memory_space<hbm>>
    %dma_start3A_19 = tpu.memref_squeeze %dma_start3A_18 : memref<1x8x4096xf32, #tpu.memory_space<hbm>> -> memref<8x4096xf32, #tpu.memory_space<hbm>>
    %dma_start3A_20 = arith.constant 0 : i32
    %dma_start3A_21 = tpu.memref_slice %arg3[%dma_start3A_16, %mul3A_2, %dma_start3A_20] : memref<16x256x4096xf32, #tpu.memory_space<hbm>> -> memref<1x8x4096xf32, #tpu.memory_space<hbm>>
    %dma_start3A_22 = tpu.memref_squeeze %dma_start3A_21 : memref<1x8x4096xf32, #tpu.memory_space<hbm>> -> memref<8x4096xf32, #tpu.memory_space<hbm>>
    tpu.enqueue_dma source(%arg4 : memref<8x4096xf32, #tpu.memory_space<vmem>>) target(%dma_start3A_22 : memref<8x4096xf32, #tpu.memory_space<hbm>>) target_semaphore(%arg5 : memref<!tpu.dma_semaphore, #tpu.memory_space<semaphore_mem>>)
    %dma_start3A_23 = arith.constant 3 : i32
    %dma_start3A_24 = arith.constant 0 : i32
    %dma_start3A_25 = tpu.memref_slice %arg3[%dma_start3A_23, %mul3A_2, %dma_start3A_24] : memref<16x256x4096xf32, #tpu.memory_space<hbm>> -> memref<1x8x4096xf32, #tpu.memory_space<hbm>>
    %dma_start3A_26 = tpu.memref_squeeze %dma_start3A_25 : memref<1x8x4096xf32, #tpu.memory_space<hbm>> -> memref<8x4096xf32, #tpu.memory_space<hbm>>
    %dma_start3A_27 = arith.constant 0 : i32
    %dma_start3A_28 = tpu.memref_slice %arg3[%dma_start3A_23, %mul3A_2, %dma_start3A_27] : memref<16x256x4096xf32, #tpu.memory_space<hbm>> -> memref<1x8x4096xf32, #tpu.memory_space<hbm>>
    %dma_start3A_29 = tpu.memref_squeeze %dma_start3A_28 : memref<1x8x4096xf32, #tpu.memory_space<hbm>> -> memref<8x4096xf32, #tpu.memory_space<hbm>>
    tpu.enqueue_dma source(%arg4 : memref<8x4096xf32, #tpu.memory_space<vmem>>) target(%dma_start3A_29 : memref<8x4096xf32, #tpu.memory_space<hbm>>) target_semaphore(%arg5 : memref<!tpu.dma_semaphore, #tpu.memory_space<semaphore_mem>>)
    %dma_start3A_30 = arith.constant 4 : i32
    %dma_start3A_31 = arith.constant 0 : i32
    %dma_start3A_32 = tpu.memref_slice %arg3[%dma_start3A_30, %mul3A_2, %dma_start3A_31] : memref<16x256x4096xf32, #tpu.memory_space<hbm>> -> memref<1x8x4096xf32, #tpu.memory_space<hbm>>
    %dma_start3A_33 = tpu.memref_squeeze %dma_start3A_32 : memref<1x8x4096xf32, #tpu.memory_space<hbm>> -> memref<8x4096xf32, #tpu.memory_space<hbm>>
    %dma_start3A_34 = arith.constant 0 : i32
    %dma_start3A_35 = tpu.memref_slice %arg3[%dma_start3A_30, %mul3A_2, %dma_start3A_34] : memref<16x256x4096xf32, #tpu.memory_space<hbm>> -> memref<1x8x4096xf32, #tpu.memory_space<hbm>>
    %dma_start3A_36 = tpu.memref_squeeze %dma_start3A_35 : memref<1x8x4096xf32, #tpu.memory_space<hbm>> -> memref<8x4096xf32, #tpu.memory_space<hbm>>
    tpu.enqueue_dma source(%arg4 : memref<8x4096xf32, #tpu.memory_space<vmem>>) target(%dma_start3A_36 : memref<8x4096xf32, #tpu.memory_space<hbm>>) target_semaphore(%arg5 : memref<!tpu.dma_semaphore, #tpu.memory_space<semaphore_mem>>)
    %dma_start3A_37 = arith.constant 5 : i32
    %dma_start3A_38 = arith.constant 0 : i32
    %dma_start3A_39 = tpu.memref_slice %arg3[%dma_start3A_37, %mul3A_2, %dma_start3A_38] : memref<16x256x4096xf32, #tpu.memory_space<hbm>> -> memref<1x8x4096xf32, #tpu.memory_space<hbm>>
    %dma_start3A_40 = tpu.memref_squeeze %dma_start3A_39 : memref<1x8x4096xf32, #tpu.memory_space<hbm>> -> memref<8x4096xf32, #tpu.memory_space<hbm>>
    %dma_start3A_41 = arith.constant 0 : i32
    %dma_start3A_42 = tpu.memref_slice %arg3[%dma_start3A_37, %mul3A_2, %dma_start3A_41] : memref<16x256x4096xf32, #tpu.memory_space<hbm>> -> memref<1x8x4096xf32, #tpu.memory_space<hbm>>
    %dma_start3A_43 = tpu.memref_squeeze %dma_start3A_42 : memref<1x8x4096xf32, #tpu.memory_space<hbm>> -> memref<8x4096xf32, #tpu.memory_space<hbm>>
    tpu.enqueue_dma source(%arg4 : memref<8x4096xf32, #tpu.memory_space<vmem>>) target(%dma_start3A_43 : memref<8x4096xf32, #tpu.memory_space<hbm>>) target_semaphore(%arg5 : memref<!tpu.dma_semaphore, #tpu.memory_space<semaphore_mem>>)
    %dma_start3A_44 = arith.constant 6 : i32
    %dma_start3A_45 = arith.constant 0 : i32
    %dma_start3A_46 = tpu.memref_slice %arg3[%dma_start3A_44, %mul3A_2, %dma_start3A_45] : memref<16x256x4096xf32, #tpu.memory_space<hbm>> -> memref<1x8x4096xf32, #tpu.memory_space<hbm>>
    %dma_start3A_47 = tpu.memref_squeeze %dma_start3A_46 : memref<1x8x4096xf32, #tpu.memory_space<hbm>> -> memref<8x4096xf32, #tpu.memory_space<hbm>>
    %dma_start3A_48 = arith.constant 0 : i32
    %dma_start3A_49 = tpu.memref_slice %arg3[%dma_start3A_44, %mul3A_2, %dma_start3A_48] : memref<16x256x4096xf32, #tpu.memory_space<hbm>> -> memref<1x8x4096xf32, #tpu.memory_space<hbm>>
    %dma_start3A_50 = tpu.memref_squeeze %dma_start3A_49 : memref<1x8x4096xf32, #tpu.memory_space<hbm>> -> memref<8x4096xf32, #tpu.memory_space<hbm>>
    tpu.enqueue_dma source(%arg4 : memref<8x4096xf32, #tpu.memory_space<vmem>>) target(%dma_start3A_50 : memref<8x4096xf32, #tpu.memory_space<hbm>>) target_semaphore(%arg5 : memref<!tpu.dma_semaphore, #tpu.memory_space<semaphore_mem>>)
    %dma_start3A_51 = arith.constant 7 : i32
    %dma_start3A_52 = arith.constant 0 : i32
    %dma_start3A_53 = tpu.memref_slice %arg3[%dma_start3A_51, %mul3A_2, %dma_start3A_52] : memref<16x256x4096xf32, #tpu.memory_space<hbm>> -> memref<1x8x4096xf32, #tpu.memory_space<hbm>>
    %dma_start3A_54 = tpu.memref_squeeze %dma_start3A_53 : memref<1x8x4096xf32, #tpu.memory_space<hbm>> -> memref<8x4096xf32, #tpu.memory_space<hbm>>
    %dma_start3A_55 = arith.constant 0 : i32
    %dma_start3A_56 = tpu.memref_slice %arg3[%dma_start3A_51, %mul3A_2, %dma_start3A_55] : memref<16x256x4096xf32, #tpu.memory_space<hbm>> -> memref<1x8x4096xf32, #tpu.memory_space<hbm>>
    %dma_start3A_57 = tpu.memref_squeeze %dma_start3A_56 : memref<1x8x4096xf32, #tpu.memory_space<hbm>> -> memref<8x4096xf32, #tpu.memory_space<hbm>>
    tpu.enqueue_dma source(%arg4 : memref<8x4096xf32, #tpu.memory_space<vmem>>) target(%dma_start3A_57 : memref<8x4096xf32, #tpu.memory_space<hbm>>) target_semaphore(%arg5 : memref<!tpu.dma_semaphore, #tpu.memory_space<semaphore_mem>>)
    %dma_start3A_58 = arith.constant 8 : i32
    %dma_start3A_59 = arith.constant 0 : i32
    %dma_start3A_60 = tpu.memref_slice %arg3[%dma_start3A_58, %mul3A_2, %dma_start3A_59] : memref<16x256x4096xf32, #tpu.memory_space<hbm>> -> memref<1x8x4096xf32, #tpu.memory_space<hbm>>
    %dma_start3A_61 = tpu.memref_squeeze %dma_start3A_60 : memref<1x8x4096xf32, #tpu.memory_space<hbm>> -> memref<8x4096xf32, #tpu.memory_space<hbm>>
    %dma_start3A_62 = arith.constant 0 : i32
    %dma_start3A_63 = tpu.memref_slice %arg3[%dma_start3A_58, %mul3A_2, %dma_start3A_62] : memref<16x256x4096xf32, #tpu.memory_space<hbm>> -> memref<1x8x4096xf32, #tpu.memory_space<hbm>>
    %dma_start3A_64 = tpu.memref_squeeze %dma_start3A_63 : memref<1x8x4096xf32, #tpu.memory_space<hbm>> -> memref<8x4096xf32, #tpu.memory_space<hbm>>
    tpu.enqueue_dma source(%arg4 : memref<8x4096xf32, #tpu.memory_space<vmem>>) target(%dma_start3A_64 : memref<8x4096xf32, #tpu.memory_space<hbm>>) target_semaphore(%arg5 : memref<!tpu.dma_semaphore, #tpu.memory_space<semaphore_mem>>)
    %dma_start3A_65 = arith.constant 9 : i32
    %dma_start3A_66 = arith.constant 0 : i32
    %dma_start3A_67 = tpu.memref_slice %arg3[%dma_start3A_65, %mul3A_2, %dma_start3A_66] : memref<16x256x4096xf32, #tpu.memory_space<hbm>> -> memref<1x8x4096xf32, #tpu.memory_space<hbm>>
    %dma_start3A_68 = tpu.memref_squeeze %dma_start3A_67 : memref<1x8x4096xf32, #tpu.memory_space<hbm>> -> memref<8x4096xf32, #tpu.memory_space<hbm>>
    %dma_start3A_69 = arith.constant 0 : i32
    %dma_start3A_70 = tpu.memref_slice %arg3[%dma_start3A_65, %mul3A_2, %dma_start3A_69] : memref<16x256x4096xf32, #tpu.memory_space<hbm>> -> memref<1x8x4096xf32, #tpu.memory_space<hbm>>
    %dma_start3A_71 = tpu.memref_squeeze %dma_start3A_70 : memref<1x8x4096xf32, #tpu.memory_space<hbm>> -> memref<8x4096xf32, #tpu.memory_space<hbm>>
    tpu.enqueue_dma source(%arg4 : memref<8x4096xf32, #tpu.memory_space<vmem>>) target(%dma_start3A_71 : memref<8x4096xf32, #tpu.memory_space<hbm>>) target_semaphore(%arg5 : memref<!tpu.dma_semaphore, #tpu.memory_space<semaphore_mem>>)
    %dma_start3A_72 = arith.constant 10 : i32
    %dma_start3A_73 = arith.constant 0 : i32
    %dma_start3A_74 = tpu.memref_slice %arg3[%dma_start3A_72, %mul3A_2, %dma_start3A_73] : memref<16x256x4096xf32, #tpu.memory_space<hbm>> -> memref<1x8x4096xf32, #tpu.memory_space<hbm>>
    %dma_start3A_75 = tpu.memref_squeeze %dma_start3A_74 : memref<1x8x4096xf32, #tpu.memory_space<hbm>> -> memref<8x4096xf32, #tpu.memory_space<hbm>>
    %dma_start3A_76 = arith.constant 0 : i32
    %dma_start3A_77 = tpu.memref_slice %arg3[%dma_start3A_72, %mul3A_2, %dma_start3A_76] : memref<16x256x4096xf32, #tpu.memory_space<hbm>> -> memref<1x8x4096xf32, #tpu.memory_space<hbm>>
    %dma_start3A_78 = tpu.memref_squeeze %dma_start3A_77 : memref<1x8x4096xf32, #tpu.memory_space<hbm>> -> memref<8x4096xf32, #tpu.memory_space<hbm>>
    tpu.enqueue_dma source(%arg4 : memref<8x4096xf32, #tpu.memory_space<vmem>>) target(%dma_start3A_78 : memref<8x4096xf32, #tpu.memory_space<hbm>>) target_semaphore(%arg5 : memref<!tpu.dma_semaphore, #tpu.memory_space<semaphore_mem>>)
    %dma_start3A_79 = arith.constant 11 : i32
    %dma_start3A_80 = arith.constant 0 : i32
    %dma_start3A_81 = tpu.memref_slice %arg3[%dma_start3A_79, %mul3A_2, %dma_start3A_80] : memref<16x256x4096xf32, #tpu.memory_space<hbm>> -> memref<1x8x4096xf32, #tpu.memory_space<hbm>>
    %dma_start3A_82 = tpu.memref_squeeze %dma_start3A_81 : memref<1x8x4096xf32, #tpu.memory_space<hbm>> -> memref<8x4096xf32, #tpu.memory_space<hbm>>
    %dma_start3A_83 = arith.constant 0 : i32
    %dma_start3A_84 = tpu.memref_slice %arg3[%dma_start3A_79, %mul3A_2, %dma_start3A_83] : memref<16x256x4096xf32, #tpu.memory_space<hbm>> -> memref<1x8x4096xf32, #tpu.memory_space<hbm>>
    %dma_start3A_85 = tpu.memref_squeeze %dma_start3A_84 : memref<1x8x4096xf32, #tpu.memory_space<hbm>> -> memref<8x4096xf32, #tpu.memory_space<hbm>>
    tpu.enqueue_dma source(%arg4 : memref<8x4096xf32, #tpu.memory_space<vmem>>) target(%dma_start3A_85 : memref<8x4096xf32, #tpu.memory_space<hbm>>) target_semaphore(%arg5 : memref<!tpu.dma_semaphore, #tpu.memory_space<semaphore_mem>>)
    %dma_start3A_86 = arith.constant 12 : i32
    %dma_start3A_87 = arith.constant 0 : i32
    %dma_start3A_88 = tpu.memref_slice %arg3[%dma_start3A_86, %mul3A_2, %dma_start3A_87] : memref<16x256x4096xf32, #tpu.memory_space<hbm>> -> memref<1x8x4096xf32, #tpu.memory_space<hbm>>
    %dma_start3A_89 = tpu.memref_squeeze %dma_start3A_88 : memref<1x8x4096xf32, #tpu.memory_space<hbm>> -> memref<8x4096xf32, #tpu.memory_space<hbm>>
    %dma_start3A_90 = arith.constant 0 : i32
    %dma_start3A_91 = tpu.memref_slice %arg3[%dma_start3A_86, %mul3A_2, %dma_start3A_90] : memref<16x256x4096xf32, #tpu.memory_space<hbm>> -> memref<1x8x4096xf32, #tpu.memory_space<hbm>>
    %dma_start3A_92 = tpu.memref_squeeze %dma_start3A_91 : memref<1x8x4096xf32, #tpu.memory_space<hbm>> -> memref<8x4096xf32, #tpu.memory_space<hbm>>
    tpu.enqueue_dma source(%arg4 : memref<8x4096xf32, #tpu.memory_space<vmem>>) target(%dma_start3A_92 : memref<8x4096xf32, #tpu.memory_space<hbm>>) target_semaphore(%arg5 : memref<!tpu.dma_semaphore, #tpu.memory_space<semaphore_mem>>)
    %dma_start3A_93 = arith.constant 13 : i32
    %dma_start3A_94 = arith.constant 0 : i32
    %dma_start3A_95 = tpu.memref_slice %arg3[%dma_start3A_93, %mul3A_2, %dma_start3A_94] : memref<16x256x4096xf32, #tpu.memory_space<hbm>> -> memref<1x8x4096xf32, #tpu.memory_space<hbm>>
    %dma_start3A_96 = tpu.memref_squeeze %dma_start3A_95 : memref<1x8x4096xf32, #tpu.memory_space<hbm>> -> memref<8x4096xf32, #tpu.memory_space<hbm>>
    %dma_start3A_97 = arith.constant 0 : i32
    %dma_start3A_98 = tpu.memref_slice %arg3[%dma_start3A_93, %mul3A_2, %dma_start3A_97] : memref<16x256x4096xf32, #tpu.memory_space<hbm>> -> memref<1x8x4096xf32, #tpu.memory_space<hbm>>
    %dma_start3A_99 = tpu.memref_squeeze %dma_start3A_98 : memref<1x8x4096xf32, #tpu.memory_space<hbm>> -> memref<8x4096xf32, #tpu.memory_space<hbm>>
    tpu.enqueue_dma source(%arg4 : memref<8x4096xf32, #tpu.memory_space<vmem>>) target(%dma_start3A_99 : memref<8x4096xf32, #tpu.memory_space<hbm>>) target_semaphore(%arg5 : memref<!tpu.dma_semaphore, #tpu.memory_space<semaphore_mem>>)
    %dma_start3A_100 = arith.constant 14 : i32
    %dma_start3A_101 = arith.constant 0 : i32
    %dma_start3A_102 = tpu.memref_slice %arg3[%dma_start3A_100, %mul3A_2, %dma_start3A_101] : memref<16x256x4096xf32, #tpu.memory_space<hbm>> -> memref<1x8x4096xf32, #tpu.memory_space<hbm>>
    %dma_start3A_103 = tpu.memref_squeeze %dma_start3A_102 : memref<1x8x4096xf32, #tpu.memory_space<hbm>> -> memref<8x4096xf32, #tpu.memory_space<hbm>>
    %dma_start3A_104 = arith.constant 0 : i32
    %dma_start3A_105 = tpu.memref_slice %arg3[%dma_start3A_100, %mul3A_2, %dma_start3A_104] : memref<16x256x4096xf32, #tpu.memory_space<hbm>> -> memref<1x8x4096xf32, #tpu.memory_space<hbm>>
    %dma_start3A_106 = tpu.memref_squeeze %dma_start3A_105 : memref<1x8x4096xf32, #tpu.memory_space<hbm>> -> memref<8x4096xf32, #tpu.memory_space<hbm>>
    tpu.enqueue_dma source(%arg4 : memref<8x4096xf32, #tpu.memory_space<vmem>>) target(%dma_start3A_106 : memref<8x4096xf32, #tpu.memory_space<hbm>>) target_semaphore(%arg5 : memref<!tpu.dma_semaphore, #tpu.memory_space<semaphore_mem>>)
    %dma_start3A_107 = arith.constant 15 : i32
    %dma_start3A_108 = arith.constant 0 : i32
    %dma_start3A_109 = tpu.memref_slice %arg3[%dma_start3A_107, %mul3A_2, %dma_start3A_108] : memref<16x256x4096xf32, #tpu.memory_space<hbm>> -> memref<1x8x4096xf32, #tpu.memory_space<hbm>>
    %dma_start3A_110 = tpu.memref_squeeze %dma_start3A_109 : memref<1x8x4096xf32, #tpu.memory_space<hbm>> -> memref<8x4096xf32, #tpu.memory_space<hbm>>
    %dma_start3A_111 = arith.constant 0 : i32
    %dma_start3A_112 = tpu.memref_slice %arg3[%dma_start3A_107, %mul3A_2, %dma_start3A_111] : memref<16x256x4096xf32, #tpu.memory_space<hbm>> -> memref<1x8x4096xf32, #tpu.memory_space<hbm>>
    %dma_start3A_113 = tpu.memref_squeeze %dma_start3A_112 : memref<1x8x4096xf32, #tpu.memory_space<hbm>> -> memref<8x4096xf32, #tpu.memory_space<hbm>>
    tpu.enqueue_dma source(%arg4 : memref<8x4096xf32, #tpu.memory_space<vmem>>) target(%dma_start3A_113 : memref<8x4096xf32, #tpu.memory_space<hbm>>) target_semaphore(%arg5 : memref<!tpu.dma_semaphore, #tpu.memory_space<semaphore_mem>>)
    %dma_wait3A = arith.constant 0 : i32
    %dma_wait3A_114 = arith.constant 0 : i32
    %dma_wait3A_115 = tpu.memref_slice %arg3[%dma_wait3A, %mul3A_2, %dma_wait3A_114] : memref<16x256x4096xf32, #tpu.memory_space<hbm>> -> memref<1x8x4096xf32, #tpu.memory_space<hbm>>
    %dma_wait3A_116 = tpu.memref_squeeze %dma_wait3A_115 : memref<1x8x4096xf32, #tpu.memory_space<hbm>> -> memref<8x4096xf32, #tpu.memory_space<hbm>>
    %dma_wait3A_117 = arith.constant 0 : i32
    %dma_wait3A_118 = tpu.memref_slice %arg3[%dma_wait3A, %mul3A_2, %dma_wait3A_117] : memref<16x256x4096xf32, #tpu.memory_space<hbm>> -> memref<1x8x4096xf32, #tpu.memory_space<hbm>>
    %dma_wait3A_119 = tpu.memref_squeeze %dma_wait3A_118 : memref<1x8x4096xf32, #tpu.memory_space<hbm>> -> memref<8x4096xf32, #tpu.memory_space<hbm>>
    tpu.wait_dma2 semaphore(%arg5 : memref<!tpu.dma_semaphore, #tpu.memory_space<semaphore_mem>>) src(%arg4 : memref<8x4096xf32, #tpu.memory_space<vmem>>) dst(%dma_wait3A_119 : memref<8x4096xf32, #tpu.memory_space<hbm>>)
    %dma_wait3A_120 = arith.constant 1 : i32
    %dma_wait3A_121 = arith.constant 0 : i32
    %dma_wait3A_122 = tpu.memref_slice %arg3[%dma_wait3A_120, %mul3A_2, %dma_wait3A_121] : memref<16x256x4096xf32, #tpu.memory_space<hbm>> -> memref<1x8x4096xf32, #tpu.memory_space<hbm>>
    %dma_wait3A_123 = tpu.memref_squeeze %dma_wait3A_122 : memref<1x8x4096xf32, #tpu.memory_space<hbm>> -> memref<8x4096xf32, #tpu.memory_space<hbm>>
    %dma_wait3A_124 = arith.constant 0 : i32
    %dma_wait3A_125 = tpu.memref_slice %arg3[%dma_wait3A_120, %mul3A_2, %dma_wait3A_124] : memref<16x256x4096xf32, #tpu.memory_space<hbm>> -> memref<1x8x4096xf32, #tpu.memory_space<hbm>>
    %dma_wait3A_126 = tpu.memref_squeeze %dma_wait3A_125 : memref<1x8x4096xf32, #tpu.memory_space<hbm>> -> memref<8x4096xf32, #tpu.memory_space<hbm>>
    tpu.wait_dma2 semaphore(%arg5 : memref<!tpu.dma_semaphore, #tpu.memory_space<semaphore_mem>>) src(%arg4 : memref<8x4096xf32, #tpu.memory_space<vmem>>) dst(%dma_wait3A_126 : memref<8x4096xf32, #tpu.memory_space<hbm>>)
    %dma_wait3A_127 = arith.constant 2 : i32
    %dma_wait3A_128 = arith.constant 0 : i32
    %dma_wait3A_129 = tpu.memref_slice %arg3[%dma_wait3A_127, %mul3A_2, %dma_wait3A_128] : memref<16x256x4096xf32, #tpu.memory_space<hbm>> -> memref<1x8x4096xf32, #tpu.memory_space<hbm>>
    %dma_wait3A_130 = tpu.memref_squeeze %dma_wait3A_129 : memref<1x8x4096xf32, #tpu.memory_space<hbm>> -> memref<8x4096xf32, #tpu.memory_space<hbm>>
    %dma_wait3A_131 = arith.constant 0 : i32
    %dma_wait3A_132 = tpu.memref_slice %arg3[%dma_wait3A_127, %mul3A_2, %dma_wait3A_131] : memref<16x256x4096xf32, #tpu.memory_space<hbm>> -> memref<1x8x4096xf32, #tpu.memory_space<hbm>>
    %dma_wait3A_133 = tpu.memref_squeeze %dma_wait3A_132 : memref<1x8x4096xf32, #tpu.memory_space<hbm>> -> memref<8x4096xf32, #tpu.memory_space<hbm>>
    tpu.wait_dma2 semaphore(%arg5 : memref<!tpu.dma_semaphore, #tpu.memory_space<semaphore_mem>>) src(%arg4 : memref<8x4096xf32, #tpu.memory_space<vmem>>) dst(%dma_wait3A_133 : memref<8x4096xf32, #tpu.memory_space<hbm>>)
    %dma_wait3A_134 = arith.constant 3 : i32
    %dma_wait3A_135 = arith.constant 0 : i32
    %dma_wait3A_136 = tpu.memref_slice %arg3[%dma_wait3A_134, %mul3A_2, %dma_wait3A_135] : memref<16x256x4096xf32, #tpu.memory_space<hbm>> -> memref<1x8x4096xf32, #tpu.memory_space<hbm>>
    %dma_wait3A_137 = tpu.memref_squeeze %dma_wait3A_136 : memref<1x8x4096xf32, #tpu.memory_space<hbm>> -> memref<8x4096xf32, #tpu.memory_space<hbm>>
    %dma_wait3A_138 = arith.constant 0 : i32
    %dma_wait3A_139 = tpu.memref_slice %arg3[%dma_wait3A_134, %mul3A_2, %dma_wait3A_138] : memref<16x256x4096xf32, #tpu.memory_space<hbm>> -> memref<1x8x4096xf32, #tpu.memory_space<hbm>>
    %dma_wait3A_140 = tpu.memref_squeeze %dma_wait3A_139 : memref<1x8x4096xf32, #tpu.memory_space<hbm>> -> memref<8x4096xf32, #tpu.memory_space<hbm>>
    tpu.wait_dma2 semaphore(%arg5 : memref<!tpu.dma_semaphore, #tpu.memory_space<semaphore_mem>>) src(%arg4 : memref<8x4096xf32, #tpu.memory_space<vmem>>) dst(%dma_wait3A_140 : memref<8x4096xf32, #tpu.memory_space<hbm>>)
    %dma_wait3A_141 = arith.constant 4 : i32
    %dma_wait3A_142 = arith.constant 0 : i32
    %dma_wait3A_143 = tpu.memref_slice %arg3[%dma_wait3A_141, %mul3A_2, %dma_wait3A_142] : memref<16x256x4096xf32, #tpu.memory_space<hbm>> -> memref<1x8x4096xf32, #tpu.memory_space<hbm>>
    %dma_wait3A_144 = tpu.memref_squeeze %dma_wait3A_143 : memref<1x8x4096xf32, #tpu.memory_space<hbm>> -> memref<8x4096xf32, #tpu.memory_space<hbm>>
    %dma_wait3A_145 = arith.constant 0 : i32
    %dma_wait3A_146 = tpu.memref_slice %arg3[%dma_wait3A_141, %mul3A_2, %dma_wait3A_145] : memref<16x256x4096xf32, #tpu.memory_space<hbm>> -> memref<1x8x4096xf32, #tpu.memory_space<hbm>>
    %dma_wait3A_147 = tpu.memref_squeeze %dma_wait3A_146 : memref<1x8x4096xf32, #tpu.memory_space<hbm>> -> memref<8x4096xf32, #tpu.memory_space<hbm>>
    tpu.wait_dma2 semaphore(%arg5 : memref<!tpu.dma_semaphore, #tpu.memory_space<semaphore_mem>>) src(%arg4 : memref<8x4096xf32, #tpu.memory_space<vmem>>) dst(%dma_wait3A_147 : memref<8x4096xf32, #tpu.memory_space<hbm>>)
    %dma_wait3A_148 = arith.constant 5 : i32
    %dma_wait3A_149 = arith.constant 0 : i32
    %dma_wait3A_150 = tpu.memref_slice %arg3[%dma_wait3A_148, %mul3A_2, %dma_wait3A_149] : memref<16x256x4096xf32, #tpu.memory_space<hbm>> -> memref<1x8x4096xf32, #tpu.memory_space<hbm>>
    %dma_wait3A_151 = tpu.memref_squeeze %dma_wait3A_150 : memref<1x8x4096xf32, #tpu.memory_space<hbm>> -> memref<8x4096xf32, #tpu.memory_space<hbm>>
    %dma_wait3A_152 = arith.constant 0 : i32
    %dma_wait3A_153 = tpu.memref_slice %arg3[%dma_wait3A_148, %mul3A_2, %dma_wait3A_152] : memref<16x256x4096xf32, #tpu.memory_space<hbm>> -> memref<1x8x4096xf32, #tpu.memory_space<hbm>>
    %dma_wait3A_154 = tpu.memref_squeeze %dma_wait3A_153 : memref<1x8x4096xf32, #tpu.memory_space<hbm>> -> memref<8x4096xf32, #tpu.memory_space<hbm>>
    tpu.wait_dma2 semaphore(%arg5 : memref<!tpu.dma_semaphore, #tpu.memory_space<semaphore_mem>>) src(%arg4 : memref<8x4096xf32, #tpu.memory_space<vmem>>) dst(%dma_wait3A_154 : memref<8x4096xf32, #tpu.memory_space<hbm>>)
    %dma_wait3A_155 = arith.constant 6 : i32
    %dma_wait3A_156 = arith.constant 0 : i32
    %dma_wait3A_157 = tpu.memref_slice %arg3[%dma_wait3A_155, %mul3A_2, %dma_wait3A_156] : memref<16x256x4096xf32, #tpu.memory_space<hbm>> -> memref<1x8x4096xf32, #tpu.memory_space<hbm>>
    %dma_wait3A_158 = tpu.memref_squeeze %dma_wait3A_157 : memref<1x8x4096xf32, #tpu.memory_space<hbm>> -> memref<8x4096xf32, #tpu.memory_space<hbm>>
    %dma_wait3A_159 = arith.constant 0 : i32
    %dma_wait3A_160 = tpu.memref_slice %arg3[%dma_wait3A_155, %mul3A_2, %dma_wait3A_159] : memref<16x256x4096xf32, #tpu.memory_space<hbm>> -> memref<1x8x4096xf32, #tpu.memory_space<hbm>>
    %dma_wait3A_161 = tpu.memref_squeeze %dma_wait3A_160 : memref<1x8x4096xf32, #tpu.memory_space<hbm>> -> memref<8x4096xf32, #tpu.memory_space<hbm>>
    tpu.wait_dma2 semaphore(%arg5 : memref<!tpu.dma_semaphore, #tpu.memory_space<semaphore_mem>>) src(%arg4 : memref<8x4096xf32, #tpu.memory_space<vmem>>) dst(%dma_wait3A_161 : memref<8x4096xf32, #tpu.memory_space<hbm>>)
    %dma_wait3A_162 = arith.constant 7 : i32
    %dma_wait3A_163 = arith.constant 0 : i32
    %dma_wait3A_164 = tpu.memref_slice %arg3[%dma_wait3A_162, %mul3A_2, %dma_wait3A_163] : memref<16x256x4096xf32, #tpu.memory_space<hbm>> -> memref<1x8x4096xf32, #tpu.memory_space<hbm>>
    %dma_wait3A_165 = tpu.memref_squeeze %dma_wait3A_164 : memref<1x8x4096xf32, #tpu.memory_space<hbm>> -> memref<8x4096xf32, #tpu.memory_space<hbm>>
    %dma_wait3A_166 = arith.constant 0 : i32
    %dma_wait3A_167 = tpu.memref_slice %arg3[%dma_wait3A_162, %mul3A_2, %dma_wait3A_166] : memref<16x256x4096xf32, #tpu.memory_space<hbm>> -> memref<1x8x4096xf32, #tpu.memory_space<hbm>>
    %dma_wait3A_168 = tpu.memref_squeeze %dma_wait3A_167 : memref<1x8x4096xf32, #tpu.memory_space<hbm>> -> memref<8x4096xf32, #tpu.memory_space<hbm>>
    tpu.wait_dma2 semaphore(%arg5 : memref<!tpu.dma_semaphore, #tpu.memory_space<semaphore_mem>>) src(%arg4 : memref<8x4096xf32, #tpu.memory_space<vmem>>) dst(%dma_wait3A_168 : memref<8x4096xf32, #tpu.memory_space<hbm>>)
    %dma_wait3A_169 = arith.constant 8 : i32
    %dma_wait3A_170 = arith.constant 0 : i32
    %dma_wait3A_171 = tpu.memref_slice %arg3[%dma_wait3A_169, %mul3A_2, %dma_wait3A_170] : memref<16x256x4096xf32, #tpu.memory_space<hbm>> -> memref<1x8x4096xf32, #tpu.memory_space<hbm>>
    %dma_wait3A_172 = tpu.memref_squeeze %dma_wait3A_171 : memref<1x8x4096xf32, #tpu.memory_space<hbm>> -> memref<8x4096xf32, #tpu.memory_space<hbm>>
    %dma_wait3A_173 = arith.constant 0 : i32
    %dma_wait3A_174 = tpu.memref_slice %arg3[%dma_wait3A_169, %mul3A_2, %dma_wait3A_173] : memref<16x256x4096xf32, #tpu.memory_space<hbm>> -> memref<1x8x4096xf32, #tpu.memory_space<hbm>>
    %dma_wait3A_175 = tpu.memref_squeeze %dma_wait3A_174 : memref<1x8x4096xf32, #tpu.memory_space<hbm>> -> memref<8x4096xf32, #tpu.memory_space<hbm>>
    tpu.wait_dma2 semaphore(%arg5 : memref<!tpu.dma_semaphore, #tpu.memory_space<semaphore_mem>>) src(%arg4 : memref<8x4096xf32, #tpu.memory_space<vmem>>) dst(%dma_wait3A_175 : memref<8x4096xf32, #tpu.memory_space<hbm>>)
    %dma_wait3A_176 = arith.constant 9 : i32
    %dma_wait3A_177 = arith.constant 0 : i32
    %dma_wait3A_178 = tpu.memref_slice %arg3[%dma_wait3A_176, %mul3A_2, %dma_wait3A_177] : memref<16x256x4096xf32, #tpu.memory_space<hbm>> -> memref<1x8x4096xf32, #tpu.memory_space<hbm>>
    %dma_wait3A_179 = tpu.memref_squeeze %dma_wait3A_178 : memref<1x8x4096xf32, #tpu.memory_space<hbm>> -> memref<8x4096xf32, #tpu.memory_space<hbm>>
    %dma_wait3A_180 = arith.constant 0 : i32
    %dma_wait3A_181 = tpu.memref_slice %arg3[%dma_wait3A_176, %mul3A_2, %dma_wait3A_180] : memref<16x256x4096xf32, #tpu.memory_space<hbm>> -> memref<1x8x4096xf32, #tpu.memory_space<hbm>>
    %dma_wait3A_182 = tpu.memref_squeeze %dma_wait3A_181 : memref<1x8x4096xf32, #tpu.memory_space<hbm>> -> memref<8x4096xf32, #tpu.memory_space<hbm>>
    tpu.wait_dma2 semaphore(%arg5 : memref<!tpu.dma_semaphore, #tpu.memory_space<semaphore_mem>>) src(%arg4 : memref<8x4096xf32, #tpu.memory_space<vmem>>) dst(%dma_wait3A_182 : memref<8x4096xf32, #tpu.memory_space<hbm>>)
    %dma_wait3A_183 = arith.constant 10 : i32
    %dma_wait3A_184 = arith.constant 0 : i32
    %dma_wait3A_185 = tpu.memref_slice %arg3[%dma_wait3A_183, %mul3A_2, %dma_wait3A_184] : memref<16x256x4096xf32, #tpu.memory_space<hbm>> -> memref<1x8x4096xf32, #tpu.memory_space<hbm>>
    %dma_wait3A_186 = tpu.memref_squeeze %dma_wait3A_185 : memref<1x8x4096xf32, #tpu.memory_space<hbm>> -> memref<8x4096xf32, #tpu.memory_space<hbm>>
    %dma_wait3A_187 = arith.constant 0 : i32
    %dma_wait3A_188 = tpu.memref_slice %arg3[%dma_wait3A_183, %mul3A_2, %dma_wait3A_187] : memref<16x256x4096xf32, #tpu.memory_space<hbm>> -> memref<1x8x4096xf32, #tpu.memory_space<hbm>>
    %dma_wait3A_189 = tpu.memref_squeeze %dma_wait3A_188 : memref<1x8x4096xf32, #tpu.memory_space<hbm>> -> memref<8x4096xf32, #tpu.memory_space<hbm>>
    tpu.wait_dma2 semaphore(%arg5 : memref<!tpu.dma_semaphore, #tpu.memory_space<semaphore_mem>>) src(%arg4 : memref<8x4096xf32, #tpu.memory_space<vmem>>) dst(%dma_wait3A_189 : memref<8x4096xf32, #tpu.memory_space<hbm>>)
    %dma_wait3A_190 = arith.constant 11 : i32
    %dma_wait3A_191 = arith.constant 0 : i32
    %dma_wait3A_192 = tpu.memref_slice %arg3[%dma_wait3A_190, %mul3A_2, %dma_wait3A_191] : memref<16x256x4096xf32, #tpu.memory_space<hbm>> -> memref<1x8x4096xf32, #tpu.memory_space<hbm>>
    %dma_wait3A_193 = tpu.memref_squeeze %dma_wait3A_192 : memref<1x8x4096xf32, #tpu.memory_space<hbm>> -> memref<8x4096xf32, #tpu.memory_space<hbm>>
    %dma_wait3A_194 = arith.constant 0 : i32
    %dma_wait3A_195 = tpu.memref_slice %arg3[%dma_wait3A_190, %mul3A_2, %dma_wait3A_194] : memref<16x256x4096xf32, #tpu.memory_space<hbm>> -> memref<1x8x4096xf32, #tpu.memory_space<hbm>>
    %dma_wait3A_196 = tpu.memref_squeeze %dma_wait3A_195 : memref<1x8x4096xf32, #tpu.memory_space<hbm>> -> memref<8x4096xf32, #tpu.memory_space<hbm>>
    tpu.wait_dma2 semaphore(%arg5 : memref<!tpu.dma_semaphore, #tpu.memory_space<semaphore_mem>>) src(%arg4 : memref<8x4096xf32, #tpu.memory_space<vmem>>) dst(%dma_wait3A_196 : memref<8x4096xf32, #tpu.memory_space<hbm>>)
    %dma_wait3A_197 = arith.constant 12 : i32
    %dma_wait3A_198 = arith.constant 0 : i32
    %dma_wait3A_199 = tpu.memref_slice %arg3[%dma_wait3A_197, %mul3A_2, %dma_wait3A_198] : memref<16x256x4096xf32, #tpu.memory_space<hbm>> -> memref<1x8x4096xf32, #tpu.memory_space<hbm>>
    %dma_wait3A_200 = tpu.memref_squeeze %dma_wait3A_199 : memref<1x8x4096xf32, #tpu.memory_space<hbm>> -> memref<8x4096xf32, #tpu.memory_space<hbm>>
    %dma_wait3A_201 = arith.constant 0 : i32
    %dma_wait3A_202 = tpu.memref_slice %arg3[%dma_wait3A_197, %mul3A_2, %dma_wait3A_201] : memref<16x256x4096xf32, #tpu.memory_space<hbm>> -> memref<1x8x4096xf32, #tpu.memory_space<hbm>>
    %dma_wait3A_203 = tpu.memref_squeeze %dma_wait3A_202 : memref<1x8x4096xf32, #tpu.memory_space<hbm>> -> memref<8x4096xf32, #tpu.memory_space<hbm>>
    tpu.wait_dma2 semaphore(%arg5 : memref<!tpu.dma_semaphore, #tpu.memory_space<semaphore_mem>>) src(%arg4 : memref<8x4096xf32, #tpu.memory_space<vmem>>) dst(%dma_wait3A_203 : memref<8x4096xf32, #tpu.memory_space<hbm>>)
    %dma_wait3A_204 = arith.constant 13 : i32
    %dma_wait3A_205 = arith.constant 0 : i32
    %dma_wait3A_206 = tpu.memref_slice %arg3[%dma_wait3A_204, %mul3A_2, %dma_wait3A_205] : memref<16x256x4096xf32, #tpu.memory_space<hbm>> -> memref<1x8x4096xf32, #tpu.memory_space<hbm>>
    %dma_wait3A_207 = tpu.memref_squeeze %dma_wait3A_206 : memref<1x8x4096xf32, #tpu.memory_space<hbm>> -> memref<8x4096xf32, #tpu.memory_space<hbm>>
    %dma_wait3A_208 = arith.constant 0 : i32
    %dma_wait3A_209 = tpu.memref_slice %arg3[%dma_wait3A_204, %mul3A_2, %dma_wait3A_208] : memref<16x256x4096xf32, #tpu.memory_space<hbm>> -> memref<1x8x4096xf32, #tpu.memory_space<hbm>>
    %dma_wait3A_210 = tpu.memref_squeeze %dma_wait3A_209 : memref<1x8x4096xf32, #tpu.memory_space<hbm>> -> memref<8x4096xf32, #tpu.memory_space<hbm>>
    tpu.wait_dma2 semaphore(%arg5 : memref<!tpu.dma_semaphore, #tpu.memory_space<semaphore_mem>>) src(%arg4 : memref<8x4096xf32, #tpu.memory_space<vmem>>) dst(%dma_wait3A_210 : memref<8x4096xf32, #tpu.memory_space<hbm>>)
    %dma_wait3A_211 = arith.constant 14 : i32
    %dma_wait3A_212 = arith.constant 0 : i32
    %dma_wait3A_213 = tpu.memref_slice %arg3[%dma_wait3A_211, %mul3A_2, %dma_wait3A_212] : memref<16x256x4096xf32, #tpu.memory_space<hbm>> -> memref<1x8x4096xf32, #tpu.memory_space<hbm>>
    %dma_wait3A_214 = tpu.memref_squeeze %dma_wait3A_213 : memref<1x8x4096xf32, #tpu.memory_space<hbm>> -> memref<8x4096xf32, #tpu.memory_space<hbm>>
    %dma_wait3A_215 = arith.constant 0 : i32
    %dma_wait3A_216 = tpu.memref_slice %arg3[%dma_wait3A_211, %mul3A_2, %dma_wait3A_215] : memref<16x256x4096xf32, #tpu.memory_space<hbm>> -> memref<1x8x4096xf32, #tpu.memory_space<hbm>>
    %dma_wait3A_217 = tpu.memref_squeeze %dma_wait3A_216 : memref<1x8x4096xf32, #tpu.memory_space<hbm>> -> memref<8x4096xf32, #tpu.memory_space<hbm>>
    tpu.wait_dma2 semaphore(%arg5 : memref<!tpu.dma_semaphore, #tpu.memory_space<semaphore_mem>>) src(%arg4 : memref<8x4096xf32, #tpu.memory_space<vmem>>) dst(%dma_wait3A_217 : memref<8x4096xf32, #tpu.memory_space<hbm>>)
    %dma_wait3A_218 = arith.constant 15 : i32
    %dma_wait3A_219 = arith.constant 0 : i32
    %dma_wait3A_220 = tpu.memref_slice %arg3[%dma_wait3A_218, %mul3A_2, %dma_wait3A_219] : memref<16x256x4096xf32, #tpu.memory_space<hbm>> -> memref<1x8x4096xf32, #tpu.memory_space<hbm>>
    %dma_wait3A_221 = tpu.memref_squeeze %dma_wait3A_220 : memref<1x8x4096xf32, #tpu.memory_space<hbm>> -> memref<8x4096xf32, #tpu.memory_space<hbm>>
    %dma_wait3A_222 = arith.constant 0 : i32
    %dma_wait3A_223 = tpu.memref_slice %arg3[%dma_wait3A_218, %mul3A_2, %dma_wait3A_222] : memref<16x256x4096xf32, #tpu.memory_space<hbm>> -> memref<1x8x4096xf32, #tpu.memory_space<hbm>>
    %dma_wait3A_224 = tpu.memref_squeeze %dma_wait3A_223 : memref<1x8x4096xf32, #tpu.memory_space<hbm>> -> memref<8x4096xf32, #tpu.memory_space<hbm>>
    tpu.wait_dma2 semaphore(%arg5 : memref<!tpu.dma_semaphore, #tpu.memory_space<semaphore_mem>>) src(%arg4 : memref<8x4096xf32, #tpu.memory_space<vmem>>) dst(%dma_wait3A_224 : memref<8x4096xf32, #tpu.memory_space<hbm>>)
    return
  }
}

module attributes {stable_mosaic.version = 14 : i64} {
  func.func @_tile_kernel(%arg0: memref<128x256xf32, #tpu.memory_space<vmem>>, %arg1: memref<256x4096xf32, #tpu.memory_space<vmem>>) attributes {dimension_semantics = [], scalar_prefetch = 0 : i64, scratch_operands = 0 : i64, tpu.core_type = #tpu.core_type<tc>} {
    %iota3A = tpu.iota {dimensions = array<i32: 0>} : vector<128x4096xi32>
    %iota3A_0 = tpu.iota {dimensions = array<i32: 1>} : vector<128x4096xi32>
    %sub3A = arith.constant 64 : i32
    %sub3A_1 = vector.broadcast %sub3A : i32 to vector<128x4096xi32>
    %sub3A_2 = arith.subi %iota3A, %sub3A_1 : vector<128x4096xi32>
    %shift_right_arithmetic3A = arith.constant 31 : i32
    %shift_right_arithmetic3A_3 = vector.broadcast %shift_right_arithmetic3A : i32 to vector<128x4096xi32>
    %shift_right_arithmetic3A_4 = arith.shrsi %sub3A_2, %shift_right_arithmetic3A_3 : vector<128x4096xi32>
    %add3A = arith.constant 1 : i32
    %add3A_5 = vector.broadcast %add3A : i32 to vector<128x4096xi32>
    %add3A_6 = arith.addi %shift_right_arithmetic3A_4, %add3A_5 : vector<128x4096xi32>
    %jit3A = arith.constant 64 : i32
    %eq3A = arith.constant 0 : i32
    %eq3A_7 = arith.cmpi eq, %jit3A, %eq3A : i32
    %jit3A_8 = arith.constant 1 : i32
    %select_n3A = arith.select %eq3A_7, %jit3A_8, %jit3A : i32
    %rem3A = vector.broadcast %select_n3A : i32 to vector<128x4096xi32>
    %rem3A_9 = arith.remsi %iota3A_0, %rem3A : vector<128x4096xi32>
    %ne3A = arith.constant 0 : i32
    %ne3A_10 = vector.broadcast %ne3A : i32 to vector<128x4096xi32>
    %ne3A_11 = arith.cmpi ne, %rem3A_9, %ne3A_10 : vector<128x4096xi32>
    %lt3A = arith.constant 0 : i32
    %lt3A_12 = vector.broadcast %lt3A : i32 to vector<128x4096xi32>
    %lt3A_13 = arith.cmpi slt, %rem3A_9, %lt3A_12 : vector<128x4096xi32>
    %lt3A_14 = arith.constant 0 : i32
    %lt3A_15 = arith.cmpi slt, %select_n3A, %lt3A_14 : i32
    %ne3A_16 = vector.broadcast %lt3A_15 : i1 to vector<128x4096xi1>
    %ne3A_17 = vector.broadcast %ne3A_16 : vector<128x4096xi1> to vector<128x4096xi1>
    %ne3A_18 = arith.xori %lt3A_13, %ne3A_17 : vector<128x4096xi1>
    %and3A = arith.andi %ne3A_18, %ne3A_11 : vector<128x4096xi1>
    %add3A_19 = vector.broadcast %select_n3A : i32 to vector<128x4096xi32>
    %add3A_20 = arith.addi %rem3A_9, %add3A_19 : vector<128x4096xi32>
    %select_n3A_21 = arith.select %and3A, %add3A_20, %rem3A_9 : vector<128x4096xi1>, vector<128x4096xi32>
    %sub3A_22 = arith.constant 1 : i32
    %sub3A_23 = vector.broadcast %sub3A_22 : i32 to vector<128x4096xi32>
    %sub3A_24 = arith.subi %sub3A_23, %add3A_6 : vector<128x4096xi32>
    %mul3A = arith.muli %select_n3A_21, %sub3A_24 : vector<128x4096xi32>
    %jit3A_25 = arith.constant 64 : i32
    %div3A = vector.broadcast %jit3A_25 : i32 to vector<128x4096xi32>
    %div3A_26 = arith.divsi %iota3A_0, %div3A : vector<128x4096xi32>
    %sign3A = arith.constant 0 : i32
    %sign3A_27 = vector.broadcast %sign3A : i32 to vector<128x4096xi32>
    %sign3A_28 = arith.cmpi sgt, %iota3A_0, %sign3A_27 : vector<128x4096xi32>
    %sign3A_29 = arith.extui %sign3A_28 : vector<128x4096xi1> to vector<128x4096xi32>
    %sign3A_30 = arith.constant 0 : i32
    %sign3A_31 = vector.broadcast %sign3A_30 : i32 to vector<128x4096xi32>
    %sign3A_32 = arith.cmpi slt, %iota3A_0, %sign3A_31 : vector<128x4096xi32>
    %sign3A_33 = arith.extui %sign3A_32 : vector<128x4096xi1> to vector<128x4096xi32>
    %sign3A_34 = arith.subi %sign3A_29, %sign3A_33 : vector<128x4096xi32>
    %sign3A_35 = arith.constant 0 : i32
    %sign3A_36 = arith.cmpi sgt, %jit3A_25, %sign3A_35 : i32
    %sign3A_37 = arith.extui %sign3A_36 : i1 to i32
    %sign3A_38 = arith.constant 0 : i32
    %sign3A_39 = arith.cmpi slt, %jit3A_25, %sign3A_38 : i32
    %sign3A_40 = arith.extui %sign3A_39 : i1 to i32
    %sign3A_41 = arith.subi %sign3A_37, %sign3A_40 : i32
    %ne3A_42 = vector.broadcast %sign3A_41 : i32 to vector<128x4096xi32>
    %ne3A_43 = arith.cmpi ne, %sign3A_34, %ne3A_42 : vector<128x4096xi32>
    %rem3A_44 = vector.broadcast %jit3A_25 : i32 to vector<128x4096xi32>
    %rem3A_45 = arith.remsi %iota3A_0, %rem3A_44 : vector<128x4096xi32>
    %ne3A_46 = arith.constant 0 : i32
    %ne3A_47 = vector.broadcast %ne3A_46 : i32 to vector<128x4096xi32>
    %ne3A_48 = arith.cmpi ne, %rem3A_45, %ne3A_47 : vector<128x4096xi32>
    %and3A_49 = arith.andi %ne3A_43, %ne3A_48 : vector<128x4096xi1>
    %sub3A_50 = arith.constant 1 : i32
    %sub3A_51 = vector.broadcast %sub3A_50 : i32 to vector<128x4096xi32>
    %sub3A_52 = arith.subi %div3A_26, %sub3A_51 : vector<128x4096xi32>
    %select_n3A_53 = arith.select %and3A_49, %sub3A_52, %div3A_26 : vector<128x4096xi1>, vector<128x4096xi32>
    %mul3A_54 = arith.muli %select_n3A_53, %add3A_6 : vector<128x4096xi32>
    %add3A_55 = arith.addi %mul3A, %mul3A_54 : vector<128x4096xi32>
    %mul3A_56 = arith.constant 64 : i32
    %mul3A_57 = vector.broadcast %mul3A_56 : i32 to vector<128x4096xi32>
    %mul3A_58 = arith.muli %mul3A_57, %add3A_6 : vector<128x4096xi32>
    %sub3A_59 = arith.subi %iota3A, %mul3A_58 : vector<128x4096xi32>
    %sub3A_60 = arith.subi %add3A_55, %sub3A_59 : vector<128x4096xi32>
    %abs3A = math.absi %sub3A_60 : vector<128x4096xi32>
    %min3A = arith.constant 1 : i32
    %min3A_61 = vector.broadcast %min3A : i32 to vector<128x4096xi32>
    %min3A_62 = arith.minsi %abs3A, %min3A_61 : vector<128x4096xi32>
    %sub3A_63 = arith.constant 1 : i32
    %sub3A_64 = vector.broadcast %sub3A_63 : i32 to vector<128x4096xi32>
    %sub3A_65 = arith.subi %sub3A_64, %min3A_62 : vector<128x4096xi32>
    %convert_element_type3A = arith.sitofp %sub3A_65 : vector<128x4096xi32> to vector<128x4096xf32>
    %get3A = arith.constant 0 : index
    %get3A_66 = arith.constant 0 : index
    %get3A_67 = vector.load %arg0[%get3A, %get3A_66] : memref<128x256xf32, #tpu.memory_space<vmem>>, vector<128x256xf32>
    %dot_general3A = arith.constant dense<0.000000e+00> : vector<256x4096xf32>
    %dot_general3A_68 = tpu.matmul %get3A_67, %convert_element_type3A, %dot_general3A {dimension_numbers = #tpu.dot_dimension_numbers<[0], [0], [1], [1], [0, 1, 1, 1], [], []>, precision = #tpu.contract_precision<fp32>, transpose_lhs_hint = false} : vector<128x256xf32>, vector<128x4096xf32>, vector<256x4096xf32> -> vector<256x4096xf32>
    %swap3A = arith.constant 0 : index
    %swap3A_69 = arith.constant 0 : index
    %swap3A_70 = vector.load %arg1[%swap3A, %swap3A_69] : memref<256x4096xf32, #tpu.memory_space<vmem>>, vector<256x4096xf32>
    tpu.vector_store %arg1[%swap3A, %swap3A_69], %dot_general3A_68 {strides = array<i32>} : memref<256x4096xf32, #tpu.memory_space<vmem>>, vector<256x4096xf32>,
    return
  }
}

</mosaic_0001>

<sc_bundles>
// kernel: kernel.4.cloned.1.call-start
scs
__scs_entry_jumppad:
0x0: {  	(pc) =	sbr.rel $0x88, $3  }
0x1: {  	(tag) =	ssettag $0x0;
	lr =	simm.s32 $0x1  }
0x2: {  	[smem:$0x3F9F] =	sst lr;
	_ =	strace $0xD0000000  }
0x3: {  	_ = 	snop  }
0x4: {  	_ = 	snop  }
0x5: {  	_ = 	snop  }
0x6: {  	_ = 	snop  }
0x7: {  	_ = 	snop  }
__scs_overlays_trampoline_lowered:
0x8: {  	[smem:$0x3FAE] =	sst s0  }
0x9: {  	[smem:$0x3FAF] =	sst s1  }
0xa: {  	[smem:$0x3FB0] =	sst s2  }
0xb: {  	[smem:$0x3FB1] =	sst s3  }
0xc: {  	[smem:$0x3FB2] =	sst s4  }
0xd: {  	[smem:$0x3FB3] =	sst s5  }
0xe: {  	[smem:$0x3FB4] =	sst s6  }
0xf: {  	[smem:$0x3FB5] =	sst s7  }
0x10: {  	[smem:$0x3FB6] =	sst s8  }
0x11: {  	[smem:$0x3FB7] =	sst s9;
	s0 =	simm.s32 @!p0 $0x0  }
0x12: {  	s1 =	sld [smem:$0x3F9D];
	s0 =	simm.s32 @p0 $0x1  }
0x13: {  	[smem:$0x3FB8] =	sst s0;
	s0 =	simm.s32 @!p1 $0x0  }
0x14: {  	s2 =	sld [smem:$0x3F9C];
	s0 =	simm.s32 @p1 $0x1  }
0x15: {  	[smem:$0x3FB9] =	sst s0;
	s0 =	simm.s32 @!p2 $0x0  }
0x16: {  	s3 =	sld [smem:$0x3FDB];
	s0 =	simm.s32 @p2 $0x1  }
0x17: {  	s4 =	simm.s32 $0x1BF5;
	[smem:$0x3FBB] =	sst s0  }
0x18: {  	s0 =	sld [smem:$0x3F9E];
	_ =	swait.ge [sflag:s4], $0x0  }
0x19: {  	s7 =	sld [smem:$0x3F9F]  }
0x1a: {  	s8 =	sadd.s32 $0xFFFFE003, lr  }
0x1b: {  	s9 =	sadd.s32 $0xFFFFFEF7, lr;
	s5 =	simm.s32 $0xFFFFFFFF;
	p2 =	slt.u32 s8, $0xFFFFF086  }
0x1c: {  	p1 =	slt.u32 s9, $0xF7A;
	s5 =	simm.s32 @!p2 $0x0  }
0x1d: {  	s5 =	simm.s32 @p1 $0x1;
	p0 =	seq.s32 s7, s2  }
0x1e: {  	s7 =	smul.u32 @!p0 $0xF7A, s2;
	p2 =	seq.s32 @!p0 s5, $0x0  }
0x1f: {  	s9 =	smul.u32 $0xF7A, s1;
	s8 =	simm.s32 @!p0 $0x1BF5;
	p2 =	por !p2, p0  }
0x20: {  	[sflag:s8] =	ssyncset.s32 @!p0 $0xFFFFF086;
	s6 =	sadd.s32 @!p0 s3, s7;
	s7 =	simm.s32 @!p0 $0x108  }
0x21: {  	s3 =	sadd.s32 s3, s9;
	s6 =	sadd.s32 @!p0 $0x88, s6;
	s7 =	simm.s32 @p2 $0x1082  }
0x22: {  	[simem:s7], [sflag:s8] =	dma.local @!p0 [hbm:s6], $0xF7A  }
0x23: {  	s9 =	sor.u32 $0xD0000000, s2;
	s6 =	simm.s32 $0x108;
	_ =	swait.ge @!p0 [sflag:s8], $0x0  }
0x24: {  	s3 =	sadd.s32 $0x88, s3;
	s6 =	simm.s32 @!p1 $0x1082;
	[sflag:s4] =	ssyncset.s32 $0xFFFFF086  }
0x25: {  	[simem:s6], [sflag:s4] =	dma.local [hbm:s3], $0xF7A  }
0x26: {  	[smem:$0x3F9F] =	sst s1;
	(tag) =	ssettag s2;
	_ =	strace s9  }
0x27: {  	s1 =	sld [smem:$0x3FAF]  }
0x28: {  	s2 =	sld [smem:$0x3FB0]  }
0x29: {  	s4 =	sld [smem:$0x3FB2]  }
0x2a: {  	p0 =	seq.s32 s5, $0x0;
	s5 =	sld [smem:$0x3FB3]  }
0x2b: {  	s6 =	sld [smem:$0x3FB4]  }
0x2c: {  	s7 =	sld [smem:$0x3FB5]  }
0x2d: {  	s3 =	simm.s32 $0x108;
	s8 =	sld [smem:$0x3FB6]  }
0x2e: {  	s3 =	simm.s32 @!p0 $0x1082;
	s9 =	sld [smem:$0x3FB7]  }
0x2f: {  	lr =	sadd.s32 s0, s3;
	s0 =	sld [smem:$0x3FAE]  }
0x30: {  	s3 =	sld [smem:$0x3FB1]  }
0x31: {  	[smem:$0x3FBA] =	sst s10  }
0x32: {  	s10 =	sld [smem:$0x3FB8];
	_ =	sdelay $0x3  }
0x33: {  	p0 =	seq.s32 s10, $0x1;
	s10 =	sld [smem:$0x3FBA];
	_ =	sdelay $0x3  }
0x34: {  	[smem:$0x3FBA] =	sst s10  }
0x35: {  	s10 =	sld [smem:$0x3FB9];
	_ =	sdelay $0x3  }
0x36: {  	p1 =	seq.s32 s10, $0x1;
	s10 =	sld [smem:$0x3FBA];
	_ =	sdelay $0x3  }
0x37: {  	[smem:$0x3FBA] =	sst s10  }
0x38: {  	s10 =	sld [smem:$0x3FBB]  }
0x39: {  	_ = 	snop;
	(pc) =	sbr.ind lr, $3  }
0x3a: {  	_ = 	snop  }
0x3b: {  	_ = 	snop  }
0x3c: {  	p2 =	seq.s32 s10, $0x1;
	s10 =	sld [smem:$0x3FBA]  }
0x3d: {  	_ =	shalt  }
0x3e: {  	_ =	shalt  }
0x3f: {  	_ =	shalt  }
0x40: {  	_ =	shalt  }
0x41: {  	_ =	shalt  }
0x42: {  	_ =	shalt  }
0x43: {  	_ =	shalt  }
0x44: {  	_ =	shalt  }
0x45: {  	_ =	shalt  }
0x46: {  	_ =	shalt  }
0x47: {  	_ =	shalt  }
0x48: {  	_ =	shalt  }
0x49: {  	_ =	shalt  }
0x4a: {  	_ =	shalt  }
0x4b: {  	_ =	shalt  }
0x4c: {  	_ =	shalt  }
0x4d: {  	_ =	shalt  }
0x4e: {  	_ =	shalt  }
0x4f: {  	_ =	shalt  }
0x50: {  	_ =	shalt  }
0x51: {  	_ =	shalt  }
0x52: {  	_ =	shalt  }
0x53: {  	_ =	shalt  }
0x54: {  	_ =	shalt  }
0x55: {  	_ =	shalt  }
0x56: {  	_ =	shalt  }
0x57: {  	_ =	shalt  }
0x58: {  	_ =	shalt  }
0x59: {  	_ =	shalt  }
0x5a: {  	_ =	shalt  }
0x5b: {  	_ =	shalt  }
0x5c: {  	_ =	shalt  }
0x5d: {  	_ =	shalt  }
0x5e: {  	_ =	shalt  }
0x5f: {  	_ =	shalt  }
0x60: {  	_ =	shalt  }
0x61: {  	_ =	shalt  }
0x62: {  	_ =	shalt  }
0x63: {  	_ =	shalt  }
0x64: {  	_ =	shalt  }
0x65: {  	_ =	shalt  }
0x66: {  	_ =	shalt  }
0x67: {  	_ =	shalt  }
0x68: {  	_ =	shalt  }
0x69: {  	_ =	shalt  }
0x6a: {  	_ =	shalt  }
0x6b: {  	_ =	shalt  }
0x6c: {  	_ =	shalt  }
0x6d: {  	_ =	shalt  }
0x6e: {  	_ =	shalt  }
0x6f: {  	_ =	shalt  }
0x70: {  	_ =	shalt  }
0x71: {  	_ =	shalt  }
0x72: {  	_ =	shalt  }
0x73: {  	_ =	shalt  }
0x74: {  	_ =	shalt  }
0x75: {  	_ =	shalt  }
0x76: {  	_ =	shalt  }
0x77: {  	_ =	shalt  }
0x78: {  	_ =	shalt  }
0x79: {  	_ =	shalt  }
0x7a: {  	_ =	shalt  }
0x7b: {  	_ =	shalt  }
0x7c: {  	_ =	shalt  }
0x7d: {  	_ =	shalt  }
0x7e: {  	_ =	shalt  }
0x7f: {  	_ =	shalt  }
0x80: {  	_ =	shalt  }
0x81: {  	_ =	shalt  }
0x82: {  	_ =	shalt  }
0x83: {  	_ =	shalt  }
0x84: {  	_ =	shalt  }
0x85: {  	_ =	shalt  }
0x86: {  	_ =	shalt  }
0x87: {  	_ =	shalt  }
.Lfunc_end0:
.L_simem_size_0:
called_computation_lowered:
.L_overlay_start_0:
0x88: {  	s2 =	sld [smem:$0x3FD9]  }
0x89: {  	s3 =	sld [smem:$0x3FFE];
	_ =	sdelay $0x1  }
0x8a: {  	s1 =	srdreg.scid  }
0x8b: {  	s0 =	sand.u32 $0x1, s1  }
0x8c: {  	s17 =	sshll.u32 s0, $0xA;
	s2 =	sadd.s32 s3, s2  }
0x8d: {  	s2 =	sadd.s32 s2, s17  }
0x8e: {  	[smem:$0x3FC6] =	sst s2  }
0x8f: {  	_ = 	snop  }
0x90: {  	s2 =	sld [smem:$0x3FD0];
	(tm) =	ssettm $0x1  }
0x91: {  	s18 =	sld [smem:$0x3FFB];
	_ =	sdelay $0x3  }
0x92: {  	_ =	strace s18  }
0x93: {  	s3 =	sld [smem:$0x3FFC];
	_ =	sdelay $0x3  }
0x94: {  	_ =	strace s3  }
0x95: {  	s3 =	sld [smem:$0x3FFD];
	_ =	sdelay $0x3  }
0x96: {  	_ =	strace s3  }
0x97: {  	_ =	strace $0x8FFFFFFF  }
0x98: {  	s19 =	sld [smem:$0x3FDB];
	_ =	sdelay $0x1  }
0x99: {  	s4 =	simm.s32 $_scs_section_size  }
0x9a: {  	s5 =	simm.s32 $_size__tile_overlayer_lowered;
	s6 =	simm.s32 $_tile_overlayer_lowered  }
0x9b: {  	s22 =	simm.s32 $0x1BFF;
	s21 =	sshll.u32 s6, $0x1;
	s3 =	sadd.s32 s4, s19  }
0x9c: {  	s7 =	simm.s32 $0x0;
	s20 =	sshll.u32 s5, $0x1;
	s5 =	sadd.s32 s21, s3  }
0x9d: {  	[timem:s7], [sflag:s22] =	dma.local [hbm:s5], s20  }
0x9e: {  	_ =	swait.ge [sflag:s22], s20  }
0x9f: {  	s4 =	ssub.s32 $0x0, s20;
	[sflag:s22] =	ssyncset.done $0x0  }
0xa0: {  	[sflag:s22] =	ssyncadd.s32 s4;
	_ =	sdelay $0x1  }
0xa1: {  	s23 =	simm.s32 $0x1B8B  }
0xa2: {  	_ =	swait.ge [sflag:s23], $0x1  }
0xa3: {  	[sflag:s23] =	ssyncset.done $0x0  }
0xa4: {  	s25 =	simm.s32 $0x1B8E;
	s24 =	sld [smem:$0x3FFE];
	[sflag:s23] =	ssyncadd.s32 $0xFFFFFFFF  }
0xa5: {  	s26 =	simm.s32 $execute0_lowered;
	[smem:$0x3FD2] =	sst s25  }
0xa6: {  	s5 =	sshll.u32 s26, $0x1;
	_ =	strace $0x80000046;
	[dreg:$0x1] =	wrdreg $0xFFFFFFFF  }
0xa7: {  	s28 =	simm.s32 $_size_execute0_lowered;
	s3 =	sadd.s32 s3, s5;
	[dreg:$0x0] =	wrdreg $0x0  }
0xa8: {  	s5 =	sshll.u32 s28, $0x1;
	[dreg:$0x2] =	wrdreg s3  }
0xa9: {  	[dreg:$0x3] =	wrdreg s5  }
0xaa: {  	[dreg:$0x4] =	wrdreg $0xC0  }
0xab: {  	_ =	task [dreg:s7], $0x5FFFF  }
0xac: {  	[dreg:$0x1] =	wrdreg $0xFFFFFFFF  }
0xad: {  	[dreg:$0x0] =	wrdreg $0x60  }
0xae: {  	[dreg:$0x2] =	wrdreg s2  }
0xaf: {  	[dreg:$0x3] =	wrdreg s24  }
0xb0: {  	[dreg:$0x4] =	wrdreg $0x9  }
0xb1: {  	_ =	task.clear_ibuf [dreg:s7], $0x5FFFF;
	_ =	strace $0x90000046  }
0xb2: {  	s29 =	simm.s32 $0x9;
	_ =	strace $0x80000048  }
0xb3: {  	_ =	swait.ge [sflag:s29], $0x1  }
0xb4: {  	[sflag:s29] =	ssyncadd.s32 $0xFFFFFFFF  }
0xb5: {  	_ =	strace $0x90000048  }
0xb6: {  	_ =	sfence  }
0xb7: {  	s30 =	sld [smem:$0x0];
	_ =	sdelay $0x2  }
0xb8: {  	s31 =	sshll.u32 s1, $0xD;
	s1 =	sshrl.u32 s1, $0x2  }
0xb9: {  	s3 =	sand.u32 $0x4000, s31;
	s1 =	sadd.s32 s1, s30  }
0xba: {  	s0 =	sor.u32 s3, s0;
	s1 =	sshll.u32 s1, $0x11  }
0xbb: {  	s0 =	sor.u32 s1, s0  }
0xbc: {  	s0 =	sadd.s32 $0x8F2B, s0  }
0xbd: {  	[sflag:s0] =	ssyncadd.remote.s32 $0x1  }
0xbe: {  	_ =	sfence.sel $0xFFFF  }
0xbf: {  	[dreg:$0x0] =	wrdreg $0xFFFFFFFF;
	(pc) =	sbr.abs _section_cstart, $3  }
0xc0: {  	[dreg:$0x1] =	wrdreg $0xFFFFFFFF  }
0xc1: {  	_ =	task.clear_ibuf [dreg:s7], $0x2FFFF;
	_ =	strace $0x9FFFFFFF  }
0xc2: {  	(tm) =	ssettm $0x7FFFFFFF  }
0xc3: {  	_ =	shalt  }
tec
execute0_lowered:
.L_overlay_start_1:
0x0: {  	(tag) =	ssettag $0x1  }
0x1: {  	s3 =	rddreg [dreg:$0x0]  }
0x2: {  	s5 =	rddreg [dreg:$0x1];
	s2 =	srdreg.scid  }
0x3: {  	s0 =	rddreg [dreg:$0x2];
	s1 =	stileid.u32;
	s22 =	sand.u32 $0x1, s2  }
0x4: {  	s2 =	simm.s32 $0x0;
	s4 =	sshll.u32 s1, $0xD;
	s6 =	sshll.u32 s22, $0xC  }
0x5: {  	[smem:$0x7FF] =	sst s2;
	s6 =	sor.u32 s6, s4  }
0x6: {  	_ =	strace $0x80000047;
	s4 =	simm.s32 $0x2;
	s3 =	sadd.s32 s3, s6  }
0x7: {  	[tilespmem:s2], [sflag:$0x2] =	stream.linear.gather [hbm4b:s3+s2], $0x8000, $0x38;
	[tilespmem:$0x8000] =	vst v63  }
0x8: {  	_ =	swait.ge [sflag:s4], $0x8000  }
0x9: {  	s20 =	sadd.s32 s6, s5;
	[sflag:s4] =	ssyncset.done $0x0  }
0xa: {  	s5 =	sadd.s32 $0x600, s20;
	[sflag:s4] =	ssyncadd.s32 $0xFFFF8000  }
0xb: {  	[hbm4b:s5+s2] =	stream.linear.scatter [tilespmem:s2], [sflag:$0x1], $0x8000, $0x38;
	[tilespmem:$0x8000] =	vst v63  }
0xc: {  	s6 =	sadd.s32 $0x20600, s20  }
0xd: {  	[hbm4b:s6+s2] =	stream.linear.scatter [tilespmem:s2], [sflag:$0x1], $0x8000, $0x38;
	[tilespmem:$0x8000] =	vst v63  }
0xe: {  	s7 =	sadd.s32 $0x40600, s20  }
0xf: {  	[hbm4b:s7+s2] =	stream.linear.scatter [tilespmem:s2], [sflag:$0x1], $0x8000, $0x38;
	[tilespmem:$0x8000] =	vst v63  }
0x10: {  	s8 =	sadd.s32 $0x60600, s20  }
0x11: {  	[hbm4b:s8+s2] =	stream.linear.scatter [tilespmem:s2], [sflag:$0x1], $0x8000, $0x38;
	[tilespmem:$0x8000] =	vst v63  }
0x12: {  	s9 =	sadd.s32 $0x80600, s20  }
0x13: {  	[hbm4b:s9+s2] =	stream.linear.scatter [tilespmem:s2], [sflag:$0x1], $0x8000, $0x38;
	[tilespmem:$0x8000] =	vst v63  }
0x14: {  	s10 =	sadd.s32 $0xA0600, s20  }
0x15: {  	[hbm4b:s10+s2] =	stream.linear.scatter [tilespmem:s2], [sflag:$0x1], $0x8000, $0x38;
	[tilespmem:$0x8000] =	vst v63  }
0x16: {  	s11 =	sadd.s32 $0xC0600, s20  }
0x17: {  	[hbm4b:s11+s2] =	stream.linear.scatter [tilespmem:s2], [sflag:$0x1], $0x8000, $0x38;
	[tilespmem:$0x8000] =	vst v63  }
0x18: {  	s12 =	sadd.s32 $0xE0600, s20  }
0x19: {  	[hbm4b:s12+s2] =	stream.linear.scatter [tilespmem:s2], [sflag:$0x1], $0x8000, $0x38;
	[tilespmem:$0x8000] =	vst v63  }
0x1a: {  	s13 =	sadd.s32 $0x100600, s20  }
0x1b: {  	[hbm4b:s13+s2] =	stream.linear.scatter [tilespmem:s2], [sflag:$0x1], $0x8000, $0x38;
	[tilespmem:$0x8000] =	vst v63  }
0x1c: {  	s14 =	sadd.s32 $0x120600, s20  }
0x1d: {  	[hbm4b:s14+s2] =	stream.linear.scatter [tilespmem:s2], [sflag:$0x1], $0x8000, $0x38;
	[tilespmem:$0x8000] =	vst v63  }
0x1e: {  	s15 =	sadd.s32 $0x140600, s20  }
0x1f: {  	[hbm4b:s15+s2] =	stream.linear.scatter [tilespmem:s2], [sflag:$0x1], $0x8000, $0x38;
	[tilespmem:$0x8000] =	vst v63  }
0x20: {  	s16 =	sadd.s32 $0x160600, s20  }
0x21: {  	[hbm4b:s16+s2] =	stream.linear.scatter [tilespmem:s2], [sflag:$0x1], $0x8000, $0x38;
	[tilespmem:$0x8000] =	vst v63  }
0x22: {  	s17 =	sadd.s32 $0x180600, s20  }
0x23: {  	[hbm4b:s17+s2] =	stream.linear.scatter [tilespmem:s2], [sflag:$0x1], $0x8000, $0x38;
	[tilespmem:$0x8000] =	vst v63  }
0x24: {  	s18 =	sadd.s32 $0x1A0600, s20  }
0x25: {  	[hbm4b:s18+s2] =	stream.linear.scatter [tilespmem:s2], [sflag:$0x1], $0x8000, $0x38;
	[tilespmem:$0x8000] =	vst v63  }
0x26: {  	s19 =	sadd.s32 $0x1C0600, s20  }
0x27: {  	[hbm4b:s19+s2] =	stream.linear.scatter [tilespmem:s2], [sflag:$0x1], $0x8000, $0x38;
	[tilespmem:$0x8000] =	vst v63  }
0x28: {  	s21 =	sadd.s32 $0x1E0600, s20;
	s20 =	simm.s32 $0x1  }
0x29: {  	[hbm4b:s21+s2] =	stream.linear.scatter [tilespmem:s2], [sflag:$0x1], $0x8000, $0x38;
	[tilespmem:$0x8000] =	vst v63  }
0x2a: {  	_ =	swait.ge [sflag:s20], $0x8000  }
0x2b: {  	[sflag:s20] =	ssyncset.done $0x0  }
0x2c: {  	[sflag:s20] =	ssyncadd.s32 $0xFFFF8000  }
0x2d: {  	_ =	swait.ge [sflag:s20], $0x8000  }
0x2e: {  	[sflag:s20] =	ssyncset.done $0x0  }
0x2f: {  	[sflag:s20] =	ssyncadd.s32 $0xFFFF8000  }
0x30: {  	_ =	swait.ge [sflag:s20], $0x8000  }
0x31: {  	[sflag:s20] =	ssyncset.done $0x0  }
0x32: {  	[sflag:s20] =	ssyncadd.s32 $0xFFFF8000  }
0x33: {  	_ =	swait.ge [sflag:s20], $0x8000  }
0x34: {  	[sflag:s20] =	ssyncset.done $0x0  }
0x35: {  	[sflag:s20] =	ssyncadd.s32 $0xFFFF8000  }
0x36: {  	_ =	swait.ge [sflag:s20], $0x8000  }
0x37: {  	[sflag:s20] =	ssyncset.done $0x0  }
0x38: {  	[sflag:s20] =	ssyncadd.s32 $0xFFFF8000  }
0x39: {  	_ =	swait.ge [sflag:s20], $0x8000  }
0x3a: {  	[sflag:s20] =	ssyncset.done $0x0  }
0x3b: {  	[sflag:s20] =	ssyncadd.s32 $0xFFFF8000  }
0x3c: {  	_ =	swait.ge [sflag:s20], $0x8000  }
0x3d: {  	[sflag:s20] =	ssyncset.done $0x0  }
0x3e: {  	[sflag:s20] =	ssyncadd.s32 $0xFFFF8000  }
0x3f: {  	_ =	swait.ge [sflag:s20], $0x8000  }
0x40: {  	[sflag:s20] =	ssyncset.done $0x0  }
0x41: {  	[sflag:s20] =	ssyncadd.s32 $0xFFFF8000  }
0x42: {  	_ =	swait.ge [sflag:s20], $0x8000  }
0x43: {  	[sflag:s20] =	ssyncset.done $0x0  }
0x44: {  	[sflag:s20] =	ssyncadd.s32 $0xFFFF8000  }
0x45: {  	_ =	swait.ge [sflag:s20], $0x8000  }
0x46: {  	[sflag:s20] =	ssyncset.done $0x0  }
0x47: {  	[sflag:s20] =	ssyncadd.s32 $0xFFFF8000  }
0x48: {  	_ =	swait.ge [sflag:s20], $0x8000  }
0x49: {  	[sflag:s20] =	ssyncset.done $0x0  }
0x4a: {  	[sflag:s20] =	ssyncadd.s32 $0xFFFF8000  }
0x4b: {  	_ =	swait.ge [sflag:s20], $0x8000  }
0x4c: {  	[sflag:s20] =	ssyncset.done $0x0  }
0x4d: {  	[sflag:s20] =	ssyncadd.s32 $0xFFFF8000  }
0x4e: {  	_ =	swait.ge [sflag:s20], $0x8000  }
0x4f: {  	s22 =	ssub.s32 $0x2, s22;
	[sflag:s20] =	ssyncset.done $0x0  }
0x50: {  	s23 =	sshrl.u32 s22, $0x1;
	[sflag:s20] =	ssyncadd.s32 $0xFFFF8000  }
0x51: {  	s22 =	ssub.s32 s22, s23;
	_ =	swait.ge [sflag:s20], $0x8000  }
0x52: {  	s22 =	smax.u32 s22, $0x1;
	[sflag:s20] =	ssyncset.done $0x0  }
0x53: {  	p0 =	sne.s32 s22, $0x1;
	[sflag:s20] =	ssyncadd.s32 $0xFFFF8000  }
.Ltmp0:
0x54: {  	_ =	swait.ge [sflag:s20], $0x8000;
	(pc) =	sbr.rel @!p0 .LBB2_2-.Ltmp0, $4  }
0x55: {  	[sflag:s20] =	ssyncset.done $0x0  }
0x56: {  	[sflag:s20] =	ssyncadd.s32 $0xFFFF8000  }
0x57: {  	_ =	swait.ge [sflag:s20], $0x8000  }
0x58: {  	s22 =	sadd.s32 $0xFFFFFFFF, s22;
	[sflag:s20] =	ssyncset.done $0x0  }
.LBB2_1:
0x59: {  	p0 =	sne.s32 s22, $0x1;
	s22 =	sadd.s32 $0xFFFFFFFF, s22;
	[sflag:s20] =	ssyncadd.s32 $0xFFFF8000  }
0x5a: {  	[tilespmem:s2], [sflag:$0x2] =	stream.linear.gather [hbm4b:s3+s2], $0x8000, $0x38;
	[tilespmem:$0x8000] =	vst v63  }
0x5b: {  	_ =	swait.ge [sflag:s4], $0x8000  }
0x5c: {  	[sflag:s4] =	ssyncset.done $0x0  }
0x5d: {  	[sflag:s4] =	ssyncadd.s32 $0xFFFF8000  }
0x5e: {  	[hbm4b:s5+s2] =	stream.linear.scatter [tilespmem:s2], [sflag:$0x1], $0x8000, $0x38;
	[tilespmem:$0x8000] =	vst v63  }
0x5f: {  	_ = 	snop  }
0x60: {  	[hbm4b:s6+s2] =	stream.linear.scatter [tilespmem:s2], [sflag:$0x1], $0x8000, $0x38;
	[tilespmem:$0x8000] =	vst v63  }
0x61: {  	_ = 	snop  }
0x62: {  	[hbm4b:s7+s2] =	stream.linear.scatter [tilespmem:s2], [sflag:$0x1], $0x8000, $0x38;
	[tilespmem:$0x8000] =	vst v63  }
0x63: {  	_ = 	snop  }
0x64: {  	[hbm4b:s8+s2] =	stream.linear.scatter [tilespmem:s2], [sflag:$0x1], $0x8000, $0x38;
	[tilespmem:$0x8000] =	vst v63  }
0x65: {  	_ = 	snop  }
0x66: {  	[hbm4b:s9+s2] =	stream.linear.scatter [tilespmem:s2], [sflag:$0x1], $0x8000, $0x38;
	[tilespmem:$0x8000] =	vst v63  }
0x67: {  	_ = 	snop  }
0x68: {  	[hbm4b:s10+s2] =	stream.linear.scatter [tilespmem:s2], [sflag:$0x1], $0x8000, $0x38;
	[tilespmem:$0x8000] =	vst v63  }
0x69: {  	_ = 	snop  }
0x6a: {  	[hbm4b:s11+s2] =	stream.linear.scatter [tilespmem:s2], [sflag:$0x1], $0x8000, $0x38;
	[tilespmem:$0x8000] =	vst v63  }
0x6b: {  	_ = 	snop  }
0x6c: {  	[hbm4b:s12+s2] =	stream.linear.scatter [tilespmem:s2], [sflag:$0x1], $0x8000, $0x38;
	[tilespmem:$0x8000] =	vst v63  }
0x6d: {  	_ = 	snop  }
0x6e: {  	[hbm4b:s13+s2] =	stream.linear.scatter [tilespmem:s2], [sflag:$0x1], $0x8000, $0x38;
	[tilespmem:$0x8000] =	vst v63  }
0x6f: {  	_ = 	snop  }
0x70: {  	[hbm4b:s14+s2] =	stream.linear.scatter [tilespmem:s2], [sflag:$0x1], $0x8000, $0x38;
	[tilespmem:$0x8000] =	vst v63  }
0x71: {  	_ = 	snop  }
0x72: {  	[hbm4b:s15+s2] =	stream.linear.scatter [tilespmem:s2], [sflag:$0x1], $0x8000, $0x38;
	[tilespmem:$0x8000] =	vst v63  }
0x73: {  	_ = 	snop  }
0x74: {  	[hbm4b:s16+s2] =	stream.linear.scatter [tilespmem:s2], [sflag:$0x1], $0x8000, $0x38;
	[tilespmem:$0x8000] =	vst v63  }
0x75: {  	_ = 	snop  }
0x76: {  	[hbm4b:s17+s2] =	stream.linear.scatter [tilespmem:s2], [sflag:$0x1], $0x8000, $0x38;
	[tilespmem:$0x8000] =	vst v63  }
0x77: {  	_ = 	snop  }
0x78: {  	[hbm4b:s18+s2] =	stream.linear.scatter [tilespmem:s2], [sflag:$0x1], $0x8000, $0x38;
	[tilespmem:$0x8000] =	vst v63  }
0x79: {  	_ = 	snop  }
0x7a: {  	[hbm4b:s19+s2] =	stream.linear.scatter [tilespmem:s2], [sflag:$0x1], $0x8000, $0x38;
	[tilespmem:$0x8000] =	vst v63  }
0x7b: {  	_ = 	snop  }
0x7c: {  	[hbm4b:s21+s2] =	stream.linear.scatter [tilespmem:s2], [sflag:$0x1], $0x8000, $0x38;
	[tilespmem:$0x8000] =	vst v63  }
0x7d: {  	_ =	swait.ge [sflag:s20], $0x8000  }
0x7e: {  	[sflag:s20] =	ssyncset.done $0x0  }
0x7f: {  	[sflag:s20] =	ssyncadd.s32 $0xFFFF8000  }
0x80: {  	_ =	swait.ge [sflag:s20], $0x8000  }
0x81: {  	[sflag:s20] =	ssyncset.done $0x0  }
0x82: {  	[sflag:s20] =	ssyncadd.s32 $0xFFFF8000  }
0x83: {  	_ =	swait.ge [sflag:s20], $0x8000  }
0x84: {  	[sflag:s20] =	ssyncset.done $0x0  }
0x85: {  	[sflag:s20] =	ssyncadd.s32 $0xFFFF8000  }
0x86: {  	_ =	swait.ge [sflag:s20], $0x8000  }
0x87: {  	[sflag:s20] =	ssyncset.done $0x0  }
0x88: {  	[sflag:s20] =	ssyncadd.s32 $0xFFFF8000  }
0x89: {  	_ =	swait.ge [sflag:s20], $0x8000  }
0x8a: {  	[sflag:s20] =	ssyncset.done $0x0  }
0x8b: {  	[sflag:s20] =	ssyncadd.s32 $0xFFFF8000  }
0x8c: {  	_ =	swait.ge [sflag:s20], $0x8000  }
0x8d: {  	[sflag:s20] =	ssyncset.done $0x0  }
0x8e: {  	[sflag:s20] =	ssyncadd.s32 $0xFFFF8000  }
0x8f: {  	_ =	swait.ge [sflag:s20], $0x8000  }
0x90: {  	[sflag:s20] =	ssyncset.done $0x0  }
0x91: {  	[sflag:s20] =	ssyncadd.s32 $0xFFFF8000  }
0x92: {  	_ =	swait.ge [sflag:s20], $0x8000  }
0x93: {  	[sflag:s20] =	ssyncset.done $0x0  }
0x94: {  	[sflag:s20] =	ssyncadd.s32 $0xFFFF8000  }
0x95: {  	_ =	swait.ge [sflag:s20], $0x8000  }
0x96: {  	[sflag:s20] =	ssyncset.done $0x0  }
0x97: {  	[sflag:s20] =	ssyncadd.s32 $0xFFFF8000  }
0x98: {  	_ =	swait.ge [sflag:s20], $0x8000  }
0x99: {  	[sflag:s20] =	ssyncset.done $0x0  }
0x9a: {  	[sflag:s20] =	ssyncadd.s32 $0xFFFF8000  }
0x9b: {  	_ =	swait.ge [sflag:s20], $0x8000  }
0x9c: {  	[sflag:s20] =	ssyncset.done $0x0  }
0x9d: {  	[sflag:s20] =	ssyncadd.s32 $0xFFFF8000  }
0x9e: {  	_ =	swait.ge [sflag:s20], $0x8000  }
0x9f: {  	[sflag:s20] =	ssyncset.done $0x0  }
0xa0: {  	[sflag:s20] =	ssyncadd.s32 $0xFFFF8000  }
0xa1: {  	_ =	swait.ge [sflag:s20], $0x8000  }
0xa2: {  	[sflag:s20] =	ssyncset.done $0x0  }
0xa3: {  	[sflag:s20] =	ssyncadd.s32 $0xFFFF8000  }
0xa4: {  	_ =	swait.ge [sflag:s20], $0x8000  }
0xa5: {  	[sflag:s20] =	ssyncset.done $0x0  }
0xa6: {  	[sflag:s20] =	ssyncadd.s32 $0xFFFF8000  }
.Ltmp1:
0xa7: {  	_ =	swait.ge [sflag:s20], $0x8000;
	(pc) =	sbr.rel @p0 .LBB2_1-.Ltmp1, $4  }
0xa8: {  	[sflag:s20] =	ssyncset.done $0x0  }
0xa9: {  	[sflag:s20] =	ssyncadd.s32 $0xFFFF8000  }
0xaa: {  	_ =	swait.ge [sflag:s20], $0x8000  }
0xab: {  	[sflag:s20] =	ssyncset.done $0x0  }
.LBB2_2:
0xac: {  	[sflag:s20] =	ssyncadd.s32 $0xFFFF8000  }
0xad: {  	_ =	sfence.sel $0x180000  }
0xae: {  	[bflag:$0x0] =	sbarrier.arrive $0xFFFF  }
0xaf: {  	p0 =	sne.s32 s1, $0x0;
	_ =	strace $0x90000047  }
0xb0: {  	s0 =	sadd.s32 @!p0 $0x100000, s0;
	[bflag:$0x2] =	sbarrier.arrive $0xFFFF  }
0xb1: {  	[sflag:s0] =	ssyncadd.tile.s32 @!p0 $0x1;
	_ =	shalt  }
.Lfunc_end2:
_tile_overlayer_lowered:
.L_overlay_start_2:
0xb2: {  	(tag) =	ssettag $0x2  }
0xb3: {  	s0 =	rddreg [dreg:$0x0];
	s2 =	stileid.u32  }
0xb4: {  	s1 =	rddreg [dreg:$0x1];
	p0 =	sne.s32 s2, $0x0  }
0xb5: {  	s3 =	rddreg [dreg:$0x2];
	[bflag:$0x3] =	sbarrier.arrive $0xFFFF;
	s2 =	simm.s32 @!p0 $0x1C02  }
0xb6: {  	[timem:s3], [sflag:s2] =	dma.local @!p0 [hbm:s0], s1  }
0xb7: {  	s0 =	simm.s32 @!p0 $0x2  }
0xb8: {  	_ =	swait.ge @!p0 [sflag:s0], s1  }
0xb9: {  	s1 =	ssub.s32 @!p0 $0x0, s1;
	[sflag:s0] =	ssyncset.done @!p0 $0x0  }
0xba: {  	[sflag:s0] =	ssyncadd.s32 @!p0 s1  }
0xbb: {  	[bflag:$0x3] =	sbarrier.arrive $0xFFFF  }
0xbc: {  	_ =	shalt  }

</sc_bundles>
